<compile_context>
chip_gen: v7x
topology: tpu7x:2x2x1
jax: 0.10.2.dev20260603
libtpu: 0.0.44.dev20260713+nightly
codegen_flags: <defaults>
</compile_context>

<pallas_src>
import jax
import jax.numpy as jnp
from jax import lax
from jax.experimental import pallas as pl
from jax.experimental.pallas import tpu as pltpu
from jax.experimental.pallas import tpu_sc as plsc

N_NODES = 10000
N_EDGES = 320000
D = 128

NC = 2
NS = 16
NW = NC * NS
LANES = 128
CH = 80
CB = 64
NCH = CH * LANES // CB
E_PAD = NW * CH * LANES
N_TRASH = N_NODES
N_SH = 10240
RPS = N_SH // NS

_MESH = plsc.VectorSubcoreMesh(
    core_axis_name="c", subcore_axis_name="s", num_cores=NC, num_subcores=NS
)


def _deg_body(col_hbm, zero128_hbm, deg_hbm, cidx_v, cidx1, ones_v, hist_sh):
    cid = lax.axis_index("c")
    sid = lax.axis_index("s")
    wid = cid * NS + sid

    pltpu.sync_copy(zero128_hbm, hist_sh.at[pl.ds(sid * RPS, RPS)])

    def fill_ones(i, _):
        for k in range(D // 16):
            ones_v[i, pl.ds(k * 16, 16)] = jnp.ones((16,), jnp.float32)
        return 0

    lax.fori_loop(0, LANES, fill_ones, 0)
    plsc.subcore_barrier()

    pltpu.sync_copy(col_hbm.at[wid], cidx_v)

    def chunk(j, _):
        for i in range(LANES // 16):
            cidx1[pl.ds(i * 16, 16)] = cidx_v[j, pl.ds(i * 16, 16)]
        pltpu.sync_copy(ones_v, hist_sh.at[cidx1], add=True)
        return 0

    lax.fori_loop(0, CH, chunk, 0)

    plsc.subcore_barrier()
    pltpu.sync_copy(
        hist_sh.at[pl.ds(sid * RPS, RPS)],
        deg_hbm.at[cid, pl.ds(sid * RPS, RPS)],
    )


_deg_call = pl.kernel(
    _deg_body,
    out_type=jax.ShapeDtypeStruct((NC, N_SH, D), jnp.float32),
    mesh=_MESH,
    scratch_types=[
        pltpu.VMEM((CH, LANES), jnp.int32),
        pltpu.VMEM((LANES,), jnp.int32),
        pltpu.VMEM((LANES, D), jnp.float32),
        pltpu.VMEM_SHARED((N_SH, D), jnp.float32),
    ],
)


def _agg_body(feat_hbm, row_hbm, col_hbm, zero128_hbm, agg_hbm,
              ridx_v, cidx_v, ridx1a, cidx1a, ridx1b, cidx1b,
              rows_a, rows_b, agg_sh, sem_a, sem_b):
    cid = lax.axis_index("c")
    sid = lax.axis_index("s")
    wid = cid * NS + sid

    pltpu.sync_copy(zero128_hbm, agg_sh.at[pl.ds(sid * RPS, RPS)])
    plsc.subcore_barrier()

    pltpu.sync_copy(row_hbm.at[wid], ridx_v)
    pltpu.sync_copy(col_hbm.at[wid], cidx_v)

    def stage(j, ridx1, cidx1):
        jr = j // 2
        jo = (j % 2) * CB
        for i in range(CB // 16):
            ridx1[pl.ds(i * 16, 16)] = ridx_v[jr, pl.ds(jo + i * 16, 16)]
            cidx1[pl.ds(i * 16, 16)] = cidx_v[jr, pl.ds(jo + i * 16, 16)]

    stage(0, ridx1a, cidx1a)
    pltpu.async_copy(feat_hbm.at[ridx1a], rows_a, sem_a)

    def outer(j2, _):
        j = j2 * 2
        stage(j + 1, ridx1b, cidx1b)
        pltpu.async_copy(feat_hbm.at[ridx1b], rows_b, sem_b)
        pltpu.make_async_copy(feat_hbm.at[ridx1a], rows_a, sem_a).wait()
        pltpu.sync_copy(rows_a, agg_sh.at[cidx1a], add=True)

        @pl.when(j + 2 < NCH)
        def _():
            stage(j + 2, ridx1a, cidx1a)
            pltpu.async_copy(feat_hbm.at[ridx1a], rows_a, sem_a)

        pltpu.make_async_copy(feat_hbm.at[ridx1b], rows_b, sem_b).wait()
        pltpu.sync_copy(rows_b, agg_sh.at[cidx1b], add=True)
        return 0

    lax.fori_loop(0, NCH // 2, outer, 0)

    plsc.subcore_barrier()
    pltpu.sync_copy(
        agg_sh.at[pl.ds(sid * RPS, RPS)],
        agg_hbm.at[cid, pl.ds(sid * RPS, RPS)],
    )


_agg_call = pl.kernel(
    _agg_body,
    out_type=jax.ShapeDtypeStruct((NC, N_SH, D), jnp.float32),
    mesh=_MESH,
    scratch_types=[
        pltpu.VMEM((CH, LANES), jnp.int32),
        pltpu.VMEM((CH, LANES), jnp.int32),
        pltpu.VMEM((CB,), jnp.int32),
        pltpu.VMEM((CB,), jnp.int32),
        pltpu.VMEM((CB,), jnp.int32),
        pltpu.VMEM((CB,), jnp.int32),
        pltpu.VMEM((CB, D), jnp.float32),
        pltpu.VMEM((CB, D), jnp.float32),
        pltpu.VMEM_SHARED((N_SH, D), jnp.float32),
        pltpu.SemaphoreType.DMA,
        pltpu.SemaphoreType.DMA,
    ],
)


def _hs_body(x_ref, w_ref, degp_ref, hs_ref):
    deg = degp_ref[0, :] + degp_ref[1, :] + 1.0
    dis = lax.rsqrt(deg)
    h = lax.dot_general(
        x_ref[:], w_ref[:], (((1,), (1,)), ((), ())),
        preferred_element_type=jnp.float32,
    )
    hs_ref[:, :] = h * dis[:, None]


def _bn_body(aggp_ref, hs_ref, degp_ref, b_ref, gamma_ref, beta_ref, out_ref):
    deg = degp_ref[0, :] + degp_ref[1, :] + 1.0
    dis = lax.rsqrt(deg)
    t = (aggp_ref[0] + aggp_ref[1] + hs_ref[:, :]) * dis[:, None] + b_ref[0, :][None, :]
    t = jnp.maximum(t, 0.0)
    mean = jnp.mean(t, axis=0)
    centered = t - mean[None, :]
    var = jnp.mean(centered * centered, axis=0)
    scale = gamma_ref[0, :] * lax.rsqrt(var + 1e-5)
    out_ref[:, :] = centered * scale[None, :] + beta_ref[0, :][None, :]


def kernel(x, edge_index, edge_attr, W, b, gamma, beta):
    row = edge_index[0].astype(jnp.int32)
    col = edge_index[1].astype(jnp.int32)
    pad = E_PAD - N_EDGES
    rowp = jnp.concatenate([row, jnp.zeros((pad,), jnp.int32)]).reshape(NW, CH, LANES)
    colp = jnp.concatenate([col, jnp.full((pad,), N_TRASH, jnp.int32)]).reshape(
        NW, CH, LANES
    )
    zero128 = jnp.zeros((RPS, D), jnp.float32)

    degc = _deg_call(colp, zero128)
    degp = degc[:, :N_NODES, 0]

    hs = pl.pallas_call(
        _hs_body,
        out_shape=jax.ShapeDtypeStruct((N_NODES, D), jnp.float32),
    )(x, W, degp)

    aggp = _agg_call(hs, rowp, colp, zero128)[:, :N_NODES]

    out = pl.pallas_call(
        _bn_body,
        out_shape=jax.ShapeDtypeStruct((N_NODES, D), jnp.float32),
    )(
        aggp,
        hs,
        degp,
        b.reshape(1, D),
        gamma.reshape(1, D),
        beta.reshape(1, D),
    )
    return out

# --- scband reference (transcript-rebuilt; emitter-appended) ---
"""Pipeline reference for scband-gcnmblock-309237645711 (READ-ONLY COPY).

The authoritative reference and input builder live on the scoring server;
editing this copy changes nothing except your own understanding.
"""

import jax, jax.numpy as jnp
import numpy as np

N_NODES = 10000
N_EDGES = 320000
D_IN = 128
D_HID = 128
D_EDGE = 16


def setup_inputs(seed: int = 0) -> dict:
    key = jax.random.key(seed)
    k1, k2, k3, k4, k5, k6, k7 = jax.random.split(key, 7)
    x = jax.random.normal(k1, (N_NODES, D_IN), dtype=jnp.float32)
    edge_index = jax.random.randint(k2, (2, N_EDGES), 0, N_NODES, dtype=jnp.int64)
    edge_attr = jax.random.normal(k3, (N_EDGES, D_EDGE), dtype=jnp.float32)
    # learned params
    W = jax.random.normal(k4, (D_HID, D_IN), dtype=jnp.float32) * (1.0 / np.sqrt(D_IN))
    b = jnp.zeros((D_HID,), dtype=jnp.float32)
    gamma = jnp.ones((D_HID,), dtype=jnp.float32)
    beta = jnp.zeros((D_HID,), dtype=jnp.float32)
    return {"x": x, "edge_index": edge_index, "edge_attr": edge_attr, "W": W, "b": b, "gamma": gamma, "beta": beta}


def reference(x, edge_index, edge_attr, W, b, gamma, beta):
    N = x.shape[0]
    # add self loops
    loops = jnp.arange(N, dtype=edge_index.dtype)
    ei = jnp.concatenate([edge_index, jnp.stack([loops, loops], axis=0)], axis=1)
    # linear transform (no bias)
    h = x @ W.T
    row, col = ei[0], ei[1]
    # degree of destination nodes (col)
    deg = jnp.zeros((N,), dtype=h.dtype).at[col].add(1.0)
    deg_inv_sqrt = jnp.where(deg > 0, deg ** -0.5, 0.0)
    norm = deg_inv_sqrt[row] * deg_inv_sqrt[col]
    # message = norm * x_j  (x_j = h[row]), aggregate (add) at col
    msg = norm[:, None] * h[row]
    out = jnp.zeros((N, h.shape[1]), dtype=h.dtype).at[col].add(msg)
    out = out + b
    # GCNMBlock: relu then BatchNorm1d (training mode, batch stats, eps=1e-5)
    out = jax.nn.relu(out)
    mean = jnp.mean(out, axis=0)
    var = jnp.var(out, axis=0)  # biased variance, matches torch BN normalization
    out = (out - mean) / jnp.sqrt(var + 1e-5) * gamma + beta
    return out


if False:  # reference __main__ guard neutralized (emitter)
    inp = setup_inputs()
    y = reference(**inp)
    print(y.shape, y.dtype)

if __name__ == "__main__":
    import jax
    _d = setup_inputs()
    print(jax.jit(kernel)(*tuple(_d.values())))

</pallas_src>

<mosaic_0001>
#map = affine_map<(d0, d1) -> (0, 0)>
#map1 = affine_map<(d0, d1) -> (0, 0, 0)>
module attributes {stable_mosaic.version = 14 : i64} {
  func.func @_agg_body(%arg0: i32, %arg1: i32, %arg2: memref<10000x128xf32, #tpu.memory_space<hbm>>, %arg3: memref<32x80x128xi32, #tpu.memory_space<hbm>>, %arg4: memref<32x80x128xi32, #tpu.memory_space<hbm>>, %arg5: memref<640x128xf32, #tpu.memory_space<hbm>>, %arg6: memref<2x10240x128xf32, #tpu.memory_space<hbm>>, %arg7: memref<80x128xi32, #tpu.memory_space<vmem>>, %arg8: memref<80x128xi32, #tpu.memory_space<vmem>>, %arg9: memref<64xi32, #tpu.memory_space<vmem>>, %arg10: memref<64xi32, #tpu.memory_space<vmem>>, %arg11: memref<64xi32, #tpu.memory_space<vmem>>, %arg12: memref<64xi32, #tpu.memory_space<vmem>>, %arg13: memref<64x128xf32, #tpu.memory_space<vmem>>, %arg14: memref<64x128xf32, #tpu.memory_space<vmem>>, %arg15: memref<10240x128xf32, #tpu.memory_space<vmem_shared>>, %arg16: memref<!tpu.dma_semaphore, #tpu.memory_space<semaphore_mem>>, %arg17: memref<!tpu.dma_semaphore, #tpu.memory_space<semaphore_mem>>) attributes {dimension_semantics = [#tpu.dimension_semantics<core_parallel>, #tpu.dimension_semantics<subcore_parallel>], iteration_bounds = array<i64: 2, 16>, scalar_prefetch = 0 : i64, scratch_operands = 11 : i64, tpu.core_type = #tpu.core_type<sc_vector_subcore>, window_params = [{transform_indices = #map}, {transform_indices = #map1}, {transform_indices = #map1}, {transform_indices = #map}, {transform_indices = #map1}]} {
    %mul3A = arith.constant 16 : i32
    %mul3A_0 = arith.muli %arg0, %mul3A : i32
    %add3A = arith.addi %mul3A_0, %arg1 : i32
    %mul3A_1 = arith.constant 640 : i32
    %mul3A_2 = arith.muli %arg1, %mul3A_1 : i32
    "tpu.region"() ({
      %run_scoped3A = tpu.sem_alloc : memref<!tpu.dma_semaphore, #tpu.memory_space<semaphore_mem>>
      %dma_start3A_86 = arith.constant 0 : i32
      %dma_start3A_87 = tpu.memref_slice %arg15[%mul3A_2, %dma_start3A_86] : memref<10240x128xf32, #tpu.memory_space<vmem_shared>> -> memref<640x128xf32, #tpu.memory_space<vmem_shared>>
      tpu.enqueue_dma source(%arg5 : memref<640x128xf32, #tpu.memory_space<hbm>>) target(%dma_start3A_87 : memref<640x128xf32, #tpu.memory_space<vmem_shared>>) target_semaphore(%run_scoped3A : memref<!tpu.dma_semaphore, #tpu.memory_space<semaphore_mem>>)
      %dma_wait3A = arith.constant 0 : i32
      %dma_wait3A_88 = tpu.memref_slice %arg15[%mul3A_2, %dma_wait3A] : memref<10240x128xf32, #tpu.memory_space<vmem_shared>> -> memref<640x128xf32, #tpu.memory_space<vmem_shared>>
      tpu.wait_dma2 semaphore(%run_scoped3A : memref<!tpu.dma_semaphore, #tpu.memory_space<semaphore_mem>>) src(%arg5 : memref<640x128xf32, #tpu.memory_space<hbm>>) dst(%dma_wait3A_88 : memref<640x128xf32, #tpu.memory_space<vmem_shared>>)
      tpu.yield
    }) : () -> ()
    %barrier3A = arith.constant 0 : index
    tpu.barrier barrier_id(%barrier3A)
    "tpu.region"() ({
      %run_scoped3A = tpu.sem_alloc : memref<!tpu.dma_semaphore, #tpu.memory_space<semaphore_mem>>
      %dma_start3A_86 = arith.constant 0 : i32
      %dma_start3A_87 = arith.constant 0 : i32
      %dma_start3A_88 = tpu.memref_slice %arg3[%add3A, %dma_start3A_86, %dma_start3A_87] : memref<32x80x128xi32, #tpu.memory_space<hbm>> -> memref<1x80x128xi32, #tpu.memory_space<hbm>>
      %dma_start3A_89 = tpu.memref_squeeze %dma_start3A_88 : memref<1x80x128xi32, #tpu.memory_space<hbm>> -> memref<80x128xi32, #tpu.memory_space<hbm>>
      %dma_start3A_90 = arith.constant 0 : i32
      %dma_start3A_91 = arith.constant 0 : i32
      %dma_start3A_92 = tpu.memref_slice %arg3[%add3A, %dma_start3A_90, %dma_start3A_91] : memref<32x80x128xi32, #tpu.memory_space<hbm>> -> memref<1x80x128xi32, #tpu.memory_space<hbm>>
      %dma_start3A_93 = tpu.memref_squeeze %dma_start3A_92 : memref<1x80x128xi32, #tpu.memory_space<hbm>> -> memref<80x128xi32, #tpu.memory_space<hbm>>
      tpu.enqueue_dma source(%dma_start3A_93 : memref<80x128xi32, #tpu.memory_space<hbm>>) target(%arg7 : memref<80x128xi32, #tpu.memory_space<vmem>>) target_semaphore(%run_scoped3A : memref<!tpu.dma_semaphore, #tpu.memory_space<semaphore_mem>>)
      %dma_wait3A = arith.constant 0 : i32
      %dma_wait3A_94 = arith.constant 0 : i32
      %dma_wait3A_95 = tpu.memref_slice %arg3[%add3A, %dma_wait3A, %dma_wait3A_94] : memref<32x80x128xi32, #tpu.memory_space<hbm>> -> memref<1x80x128xi32, #tpu.memory_space<hbm>>
      %dma_wait3A_96 = tpu.memref_squeeze %dma_wait3A_95 : memref<1x80x128xi32, #tpu.memory_space<hbm>> -> memref<80x128xi32, #tpu.memory_space<hbm>>
      %dma_wait3A_97 = arith.constant 0 : i32
      %dma_wait3A_98 = arith.constant 0 : i32
      %dma_wait3A_99 = tpu.memref_slice %arg3[%add3A, %dma_wait3A_97, %dma_wait3A_98] : memref<32x80x128xi32, #tpu.memory_space<hbm>> -> memref<1x80x128xi32, #tpu.memory_space<hbm>>
      %dma_wait3A_100 = tpu.memref_squeeze %dma_wait3A_99 : memref<1x80x128xi32, #tpu.memory_space<hbm>> -> memref<80x128xi32, #tpu.memory_space<hbm>>
      tpu.wait_dma2 semaphore(%run_scoped3A : memref<!tpu.dma_semaphore, #tpu.memory_space<semaphore_mem>>) src(%dma_wait3A_100 : memref<80x128xi32, #tpu.memory_space<hbm>>) dst(%arg7 : memref<80x128xi32, #tpu.memory_space<vmem>>)
      tpu.yield
    }) : () -> ()
    "tpu.region"() ({
      %run_scoped3A = tpu.sem_alloc : memref<!tpu.dma_semaphore, #tpu.memory_space<semaphore_mem>>
      %dma_start3A_86 = arith.constant 0 : i32
      %dma_start3A_87 = arith.constant 0 : i32
      %dma_start3A_88 = tpu.memref_slice %arg4[%add3A, %dma_start3A_86, %dma_start3A_87] : memref<32x80x128xi32, #tpu.memory_space<hbm>> -> memref<1x80x128xi32, #tpu.memory_space<hbm>>
      %dma_start3A_89 = tpu.memref_squeeze %dma_start3A_88 : memref<1x80x128xi32, #tpu.memory_space<hbm>> -> memref<80x128xi32, #tpu.memory_space<hbm>>
      %dma_start3A_90 = arith.constant 0 : i32
      %dma_start3A_91 = arith.constant 0 : i32
      %dma_start3A_92 = tpu.memref_slice %arg4[%add3A, %dma_start3A_90, %dma_start3A_91] : memref<32x80x128xi32, #tpu.memory_space<hbm>> -> memref<1x80x128xi32, #tpu.memory_space<hbm>>
      %dma_start3A_93 = tpu.memref_squeeze %dma_start3A_92 : memref<1x80x128xi32, #tpu.memory_space<hbm>> -> memref<80x128xi32, #tpu.memory_space<hbm>>
      tpu.enqueue_dma source(%dma_start3A_93 : memref<80x128xi32, #tpu.memory_space<hbm>>) target(%arg8 : memref<80x128xi32, #tpu.memory_space<vmem>>) target_semaphore(%run_scoped3A : memref<!tpu.dma_semaphore, #tpu.memory_space<semaphore_mem>>)
      %dma_wait3A = arith.constant 0 : i32
      %dma_wait3A_94 = arith.constant 0 : i32
      %dma_wait3A_95 = tpu.memref_slice %arg4[%add3A, %dma_wait3A, %dma_wait3A_94] : memref<32x80x128xi32, #tpu.memory_space<hbm>> -> memref<1x80x128xi32, #tpu.memory_space<hbm>>
      %dma_wait3A_96 = tpu.memref_squeeze %dma_wait3A_95 : memref<1x80x128xi32, #tpu.memory_space<hbm>> -> memref<80x128xi32, #tpu.memory_space<hbm>>
      %dma_wait3A_97 = arith.constant 0 : i32
      %dma_wait3A_98 = arith.constant 0 : i32
      %dma_wait3A_99 = tpu.memref_slice %arg4[%add3A, %dma_wait3A_97, %dma_wait3A_98] : memref<32x80x128xi32, #tpu.memory_space<hbm>> -> memref<1x80x128xi32, #tpu.memory_space<hbm>>
      %dma_wait3A_100 = tpu.memref_squeeze %dma_wait3A_99 : memref<1x80x128xi32, #tpu.memory_space<hbm>> -> memref<80x128xi32, #tpu.memory_space<hbm>>
      tpu.wait_dma2 semaphore(%run_scoped3A : memref<!tpu.dma_semaphore, #tpu.memory_space<semaphore_mem>>) src(%dma_wait3A_100 : memref<80x128xi32, #tpu.memory_space<hbm>>) dst(%arg8 : memref<80x128xi32, #tpu.memory_space<vmem>>)
      tpu.yield
    }) : () -> ()
    %get3A = arith.constant 0 : i32
    %get3A_3 = arith.index_cast %get3A : i32 to index
    %get3A_4 = arith.constant 0 : index
    %get3A_5 = tpu.vector_load %arg7[%get3A_3, %get3A_4] {strides = array<i32>} : memref<80x128xi32, #tpu.memory_space<vmem>>, vector<1x16xi32>,
    %get3A_6 = vector.shape_cast %get3A_5 : vector<1x16xi32> to vector<16xi32>
    %swap3A = arith.constant 0 : index
    %swap3A_7 = tpu.vector_load %arg9[%swap3A] {strides = array<i32>} : memref<64xi32, #tpu.memory_space<vmem>>, vector<16xi32>,
    %swap3A_8 = vector.shape_cast %swap3A_7 : vector<16xi32> to vector<16xi32>
    %swap3A_9 = vector.shape_cast %get3A_6 : vector<16xi32> to vector<16xi32>
    tpu.vector_store %arg9[%swap3A], %swap3A_9 {strides = array<i32>} : memref<64xi32, #tpu.memory_space<vmem>>, vector<16xi32>,
    %get3A_10 = arith.constant 0 : i32
    %get3A_11 = arith.index_cast %get3A_10 : i32 to index
    %get3A_12 = arith.constant 0 : index
    %get3A_13 = tpu.vector_load %arg8[%get3A_11, %get3A_12] {strides = array<i32>} : memref<80x128xi32, #tpu.memory_space<vmem>>, vector<1x16xi32>,
    %get3A_14 = vector.shape_cast %get3A_13 : vector<1x16xi32> to vector<16xi32>
    %swap3A_15 = arith.constant 0 : index
    %swap3A_16 = tpu.vector_load %arg10[%swap3A_15] {strides = array<i32>} : memref<64xi32, #tpu.memory_space<vmem>>, vector<16xi32>,
    %swap3A_17 = vector.shape_cast %swap3A_16 : vector<16xi32> to vector<16xi32>
    %swap3A_18 = vector.shape_cast %get3A_14 : vector<16xi32> to vector<16xi32>
    tpu.vector_store %arg10[%swap3A_15], %swap3A_18 {strides = array<i32>} : memref<64xi32, #tpu.memory_space<vmem>>, vector<16xi32>,
    %get3A_19 = arith.constant 0 : i32
    %get3A_20 = arith.index_cast %get3A_19 : i32 to index
    %get3A_21 = arith.constant 16 : index
    %get3A_22 = tpu.vector_load %arg7[%get3A_20, %get3A_21] {strides = array<i32>} : memref<80x128xi32, #tpu.memory_space<vmem>>, vector<1x16xi32>,
    %get3A_23 = vector.shape_cast %get3A_22 : vector<1x16xi32> to vector<16xi32>
    %swap3A_24 = arith.constant 16 : index
    %swap3A_25 = tpu.vector_load %arg9[%swap3A_24] {strides = array<i32>} : memref<64xi32, #tpu.memory_space<vmem>>, vector<16xi32>,
    %swap3A_26 = vector.shape_cast %swap3A_25 : vector<16xi32> to vector<16xi32>
    %swap3A_27 = vector.shape_cast %get3A_23 : vector<16xi32> to vector<16xi32>
    tpu.vector_store %arg9[%swap3A_24], %swap3A_27 {strides = array<i32>} : memref<64xi32, #tpu.memory_space<vmem>>, vector<16xi32>,
    %get3A_28 = arith.constant 0 : i32
    %get3A_29 = arith.index_cast %get3A_28 : i32 to index
    %get3A_30 = arith.constant 16 : index
    %get3A_31 = tpu.vector_load %arg8[%get3A_29, %get3A_30] {strides = array<i32>} : memref<80x128xi32, #tpu.memory_space<vmem>>, vector<1x16xi32>,
    %get3A_32 = vector.shape_cast %get3A_31 : vector<1x16xi32> to vector<16xi32>
    %swap3A_33 = arith.constant 16 : index
    %swap3A_34 = tpu.vector_load %arg10[%swap3A_33] {strides = array<i32>} : memref<64xi32, #tpu.memory_space<vmem>>, vector<16xi32>,
    %swap3A_35 = vector.shape_cast %swap3A_34 : vector<16xi32> to vector<16xi32>
    %swap3A_36 = vector.shape_cast %get3A_32 : vector<16xi32> to vector<16xi32>
    tpu.vector_store %arg10[%swap3A_33], %swap3A_36 {strides = array<i32>} : memref<64xi32, #tpu.memory_space<vmem>>, vector<16xi32>,
    %get3A_37 = arith.constant 0 : i32
    %get3A_38 = arith.index_cast %get3A_37 : i32 to index
    %get3A_39 = arith.constant 32 : index
    %get3A_40 = tpu.vector_load %arg7[%get3A_38, %get3A_39] {strides = array<i32>} : memref<80x128xi32, #tpu.memory_space<vmem>>, vector<1x16xi32>,
    %get3A_41 = vector.shape_cast %get3A_40 : vector<1x16xi32> to vector<16xi32>
    %swap3A_42 = arith.constant 32 : index
    %swap3A_43 = tpu.vector_load %arg9[%swap3A_42] {strides = array<i32>} : memref<64xi32, #tpu.memory_space<vmem>>, vector<16xi32>,
    %swap3A_44 = vector.shape_cast %swap3A_43 : vector<16xi32> to vector<16xi32>
    %swap3A_45 = vector.shape_cast %get3A_41 : vector<16xi32> to vector<16xi32>
    tpu.vector_store %arg9[%swap3A_42], %swap3A_45 {strides = array<i32>} : memref<64xi32, #tpu.memory_space<vmem>>, vector<16xi32>,
    %get3A_46 = arith.constant 0 : i32
    %get3A_47 = arith.index_cast %get3A_46 : i32 to index
    %get3A_48 = arith.constant 32 : index
    %get3A_49 = tpu.vector_load %arg8[%get3A_47, %get3A_48] {strides = array<i32>} : memref<80x128xi32, #tpu.memory_space<vmem>>, vector<1x16xi32>,
    %get3A_50 = vector.shape_cast %get3A_49 : vector<1x16xi32> to vector<16xi32>
    %swap3A_51 = arith.constant 32 : index
    %swap3A_52 = tpu.vector_load %arg10[%swap3A_51] {strides = array<i32>} : memref<64xi32, #tpu.memory_space<vmem>>, vector<16xi32>,
    %swap3A_53 = vector.shape_cast %swap3A_52 : vector<16xi32> to vector<16xi32>
    %swap3A_54 = vector.shape_cast %get3A_50 : vector<16xi32> to vector<16xi32>
    tpu.vector_store %arg10[%swap3A_51], %swap3A_54 {strides = array<i32>} : memref<64xi32, #tpu.memory_space<vmem>>, vector<16xi32>,
    %get3A_55 = arith.constant 0 : i32
    %get3A_56 = arith.index_cast %get3A_55 : i32 to index
    %get3A_57 = arith.constant 48 : index
    %get3A_58 = tpu.vector_load %arg7[%get3A_56, %get3A_57] {strides = array<i32>} : memref<80x128xi32, #tpu.memory_space<vmem>>, vector<1x16xi32>,
    %get3A_59 = vector.shape_cast %get3A_58 : vector<1x16xi32> to vector<16xi32>
    %swap3A_60 = arith.constant 48 : index
    %swap3A_61 = tpu.vector_load %arg9[%swap3A_60] {strides = array<i32>} : memref<64xi32, #tpu.memory_space<vmem>>, vector<16xi32>,
    %swap3A_62 = vector.shape_cast %swap3A_61 : vector<16xi32> to vector<16xi32>
    %swap3A_63 = vector.shape_cast %get3A_59 : vector<16xi32> to vector<16xi32>
    tpu.vector_store %arg9[%swap3A_60], %swap3A_63 {strides = array<i32>} : memref<64xi32, #tpu.memory_space<vmem>>, vector<16xi32>,
    %get3A_64 = arith.constant 0 : i32
    %get3A_65 = arith.index_cast %get3A_64 : i32 to index
    %get3A_66 = arith.constant 48 : index
    %get3A_67 = tpu.vector_load %arg8[%get3A_65, %get3A_66] {strides = array<i32>} : memref<80x128xi32, #tpu.memory_space<vmem>>, vector<1x16xi32>,
    %get3A_68 = vector.shape_cast %get3A_67 : vector<1x16xi32> to vector<16xi32>
    %swap3A_69 = arith.constant 48 : index
    %swap3A_70 = tpu.vector_load %arg10[%swap3A_69] {strides = array<i32>} : memref<64xi32, #tpu.memory_space<vmem>>, vector<16xi32>,
    %swap3A_71 = vector.shape_cast %swap3A_70 : vector<16xi32> to vector<16xi32>
    %swap3A_72 = vector.shape_cast %get3A_68 : vector<16xi32> to vector<16xi32>
    tpu.vector_store %arg10[%swap3A_69], %swap3A_72 {strides = array<i32>} : memref<64xi32, #tpu.memory_space<vmem>>, vector<16xi32>,
    %dma_start3A = arith.constant 0 : i32
    %dma_start3A_73 = arith.constant 0 : i32
    %dma_start3A_74 = tpu.memref_slice %arg2[%dma_start3A, %dma_start3A_73] : memref<10000x128xf32, #tpu.memory_space<hbm>> -> memref<10000x128xf32, #tpu.memory_space<hbm>>
    tpu.enqueue_indirect_dma source(%dma_start3A_74 : memref<10000x128xf32, #tpu.memory_space<hbm>>) target(%arg13 : memref<64x128xf32, #tpu.memory_space<vmem>>) offsets(%arg9 : memref<64xi32, #tpu.memory_space<vmem>>) semaphore(%arg16 : memref<!tpu.dma_semaphore, #tpu.memory_space<semaphore_mem>>)
    %scan3A = arith.constant 0 : i32
    %scan3A_75 = arith.constant 0 : i32
    %scan3A_76 = arith.constant 80 : i32
    %scan3A_77 = arith.addi %scan3A_75, %scan3A_76 : i32
    %scan3A_78 = arith.constant 1 : i32
    %scan3A_79 = scf.for %scan3A_86 = %scan3A_75 to %scan3A_77 step %scan3A_78 iter_args(%scan3A_87 = %scan3A) -> (i32)  : i32 {
      %mul3A_88 = arith.constant 2 : i32
      %mul3A_89 = arith.muli %scan3A_86, %mul3A_88 : i32
      %add3A_90 = arith.constant 1 : i32
      %add3A_91 = arith.addi %mul3A_89, %add3A_90 : i32
      %jit3A = arith.constant 2 : i32
      %div3A = arith.divsi %add3A_91, %jit3A : i32
      %sign3A = arith.constant 0 : i32
      %sign3A_92 = arith.cmpi sgt, %add3A_91, %sign3A : i32
      %sign3A_93 = arith.extui %sign3A_92 : i1 to i32
      %sign3A_94 = arith.constant 0 : i32
      %sign3A_95 = arith.cmpi slt, %add3A_91, %sign3A_94 : i32
      %sign3A_96 = arith.extui %sign3A_95 : i1 to i32
      %sign3A_97 = arith.subi %sign3A_93, %sign3A_96 : i32
      %sign3A_98 = arith.constant 0 : i32
      %sign3A_99 = arith.cmpi sgt, %jit3A, %sign3A_98 : i32
      %sign3A_100 = arith.extui %sign3A_99 : i1 to i32
      %sign3A_101 = arith.constant 0 : i32
      %sign3A_102 = arith.cmpi slt, %jit3A, %sign3A_101 : i32
      %sign3A_103 = arith.extui %sign3A_102 : i1 to i32
      %sign3A_104 = arith.subi %sign3A_100, %sign3A_103 : i32
      %ne3A = arith.cmpi ne, %sign3A_97, %sign3A_104 : i32
      %rem3A = arith.remsi %add3A_91, %jit3A : i32
      %ne3A_105 = arith.constant 0 : i32
      %ne3A_106 = arith.cmpi ne, %rem3A, %ne3A_105 : i32
      %and3A = arith.andi %ne3A, %ne3A_106 : i1
      %sub3A = arith.constant 1 : i32
      %sub3A_107 = arith.subi %div3A, %sub3A : i32
      %select_n3A = arith.select %and3A, %sub3A_107, %div3A : i32
      %jit3A_108 = arith.constant 2 : i32
      %eq3A = arith.constant 0 : i32
      %eq3A_109 = arith.cmpi eq, %jit3A_108, %eq3A : i32
      %jit3A_110 = arith.constant 1 : i32
      %select_n3A_111 = arith.select %eq3A_109, %jit3A_110, %jit3A_108 : i32
      %rem3A_112 = arith.remsi %add3A_91, %select_n3A_111 : i32
      %ne3A_113 = arith.constant 0 : i32
      %ne3A_114 = arith.cmpi ne, %rem3A_112, %ne3A_113 : i32
      %lt3A = arith.constant 0 : i32
      %lt3A_115 = arith.cmpi slt, %rem3A_112, %lt3A : i32
      %lt3A_116 = arith.constant 0 : i32
      %lt3A_117 = arith.cmpi slt, %select_n3A_111, %lt3A_116 : i32
      %ne3A_118 = arith.xori %lt3A_115, %lt3A_117 : i1
      %and3A_119 = arith.andi %ne3A_118, %ne3A_114 : i1
      %add3A_120 = arith.addi %rem3A_112, %select_n3A_111 : i32
      %select_n3A_121 = arith.select %and3A_119, %add3A_120, %rem3A_112 : i32
      %mul3A_122 = arith.constant 64 : i32
      %mul3A_123 = arith.muli %select_n3A_121, %mul3A_122 : i32
      %add3A_124 = arith.constant 0 : i32
      %add3A_125 = arith.addi %mul3A_123, %add3A_124 : i32
      %get3A_126 = arith.index_cast %select_n3A : i32 to index
      %get3A_127 = arith.index_cast %add3A_125 : i32 to index
      %get3A_128 = tpu.vector_load %arg7[%get3A_126, %get3A_127] {strides = array<i32>} : memref<80x128xi32, #tpu.memory_space<vmem>>, vector<1x16xi32>,
      %get3A_129 = vector.shape_cast %get3A_128 : vector<1x16xi32> to vector<16xi32>
      %swap3A_130 = arith.constant 0 : index
      %swap3A_131 = tpu.vector_load %arg11[%swap3A_130] {strides = array<i32>} : memref<64xi32, #tpu.memory_space<vmem>>, vector<16xi32>,
      %swap3A_132 = vector.shape_cast %swap3A_131 : vector<16xi32> to vector<16xi32>
      %swap3A_133 = vector.shape_cast %get3A_129 : vector<16xi32> to vector<16xi32>
      tpu.vector_store %arg11[%swap3A_130], %swap3A_133 {strides = array<i32>} : memref<64xi32, #tpu.memory_space<vmem>>, vector<16xi32>,
      %add3A_134 = arith.constant 0 : i32
      %add3A_135 = arith.addi %mul3A_123, %add3A_134 : i32
      %get3A_136 = arith.index_cast %select_n3A : i32 to index
      %get3A_137 = arith.index_cast %add3A_135 : i32 to index
      %get3A_138 = tpu.vector_load %arg8[%get3A_136, %get3A_137] {strides = array<i32>} : memref<80x128xi32, #tpu.memory_space<vmem>>, vector<1x16xi32>,
      %get3A_139 = vector.shape_cast %get3A_138 : vector<1x16xi32> to vector<16xi32>
      %swap3A_140 = arith.constant 0 : index
      %swap3A_141 = tpu.vector_load %arg12[%swap3A_140] {strides = array<i32>} : memref<64xi32, #tpu.memory_space<vmem>>, vector<16xi32>,
      %swap3A_142 = vector.shape_cast %swap3A_141 : vector<16xi32> to vector<16xi32>
      %swap3A_143 = vector.shape_cast %get3A_139 : vector<16xi32> to vector<16xi32>
      tpu.vector_store %arg12[%swap3A_140], %swap3A_143 {strides = array<i32>} : memref<64xi32, #tpu.memory_space<vmem>>, vector<16xi32>,
      %add3A_144 = arith.constant 16 : i32
      %add3A_145 = arith.addi %mul3A_123, %add3A_144 : i32
      %get3A_146 = arith.index_cast %select_n3A : i32 to index
      %get3A_147 = arith.index_cast %add3A_145 : i32 to index
      %get3A_148 = tpu.vector_load %arg7[%get3A_146, %get3A_147] {strides = array<i32>} : memref<80x128xi32, #tpu.memory_space<vmem>>, vector<1x16xi32>,
      %get3A_149 = vector.shape_cast %get3A_148 : vector<1x16xi32> to vector<16xi32>
      %swap3A_150 = arith.constant 16 : index
      %swap3A_151 = tpu.vector_load %arg11[%swap3A_150] {strides = array<i32>} : memref<64xi32, #tpu.memory_space<vmem>>, vector<16xi32>,
      %swap3A_152 = vector.shape_cast %swap3A_151 : vector<16xi32> to vector<16xi32>
      %swap3A_153 = vector.shape_cast %get3A_149 : vector<16xi32> to vector<16xi32>
      tpu.vector_store %arg11[%swap3A_150], %swap3A_153 {strides = array<i32>} : memref<64xi32, #tpu.memory_space<vmem>>, vector<16xi32>,
      %add3A_154 = arith.constant 16 : i32
      %add3A_155 = arith.addi %mul3A_123, %add3A_154 : i32
      %get3A_156 = arith.index_cast %select_n3A : i32 to index
      %get3A_157 = arith.index_cast %add3A_155 : i32 to index
      %get3A_158 = tpu.vector_load %arg8[%get3A_156, %get3A_157] {strides = array<i32>} : memref<80x128xi32, #tpu.memory_space<vmem>>, vector<1x16xi32>,
      %get3A_159 = vector.shape_cast %get3A_158 : vector<1x16xi32> to vector<16xi32>
      %swap3A_160 = arith.constant 16 : index
      %swap3A_161 = tpu.vector_load %arg12[%swap3A_160] {strides = array<i32>} : memref<64xi32, #tpu.memory_space<vmem>>, vector<16xi32>,
      %swap3A_162 = vector.shape_cast %swap3A_161 : vector<16xi32> to vector<16xi32>
      %swap3A_163 = vector.shape_cast %get3A_159 : vector<16xi32> to vector<16xi32>
      tpu.vector_store %arg12[%swap3A_160], %swap3A_163 {strides = array<i32>} : memref<64xi32, #tpu.memory_space<vmem>>, vector<16xi32>,
      %add3A_164 = arith.constant 32 : i32
      %add3A_165 = arith.addi %mul3A_123, %add3A_164 : i32
      %get3A_166 = arith.index_cast %select_n3A : i32 to index
      %get3A_167 = arith.index_cast %add3A_165 : i32 to index
      %get3A_168 = tpu.vector_load %arg7[%get3A_166, %get3A_167] {strides = array<i32>} : memref<80x128xi32, #tpu.memory_space<vmem>>, vector<1x16xi32>,
      %get3A_169 = vector.shape_cast %get3A_168 : vector<1x16xi32> to vector<16xi32>
      %swap3A_170 = arith.constant 32 : index
      %swap3A_171 = tpu.vector_load %arg11[%swap3A_170] {strides = array<i32>} : memref<64xi32, #tpu.memory_space<vmem>>, vector<16xi32>,
      %swap3A_172 = vector.shape_cast %swap3A_171 : vector<16xi32> to vector<16xi32>
      %swap3A_173 = vector.shape_cast %get3A_169 : vector<16xi32> to vector<16xi32>
      tpu.vector_store %arg11[%swap3A_170], %swap3A_173 {strides = array<i32>} : memref<64xi32, #tpu.memory_space<vmem>>, vector<16xi32>,
      %add3A_174 = arith.constant 32 : i32
      %add3A_175 = arith.addi %mul3A_123, %add3A_174 : i32
      %get3A_176 = arith.index_cast %select_n3A : i32 to index
      %get3A_177 = arith.index_cast %add3A_175 : i32 to index
      %get3A_178 = tpu.vector_load %arg8[%get3A_176, %get3A_177] {strides = array<i32>} : memref<80x128xi32, #tpu.memory_space<vmem>>, vector<1x16xi32>,
      %get3A_179 = vector.shape_cast %get3A_178 : vector<1x16xi32> to vector<16xi32>
      %swap3A_180 = arith.constant 32 : index
      %swap3A_181 = tpu.vector_load %arg12[%swap3A_180] {strides = array<i32>} : memref<64xi32, #tpu.memory_space<vmem>>, vector<16xi32>,
      %swap3A_182 = vector.shape_cast %swap3A_181 : vector<16xi32> to vector<16xi32>
      %swap3A_183 = vector.shape_cast %get3A_179 : vector<16xi32> to vector<16xi32>
      tpu.vector_store %arg12[%swap3A_180], %swap3A_183 {strides = array<i32>} : memref<64xi32, #tpu.memory_space<vmem>>, vector<16xi32>,
      %add3A_184 = arith.constant 48 : i32
      %add3A_185 = arith.addi %mul3A_123, %add3A_184 : i32
      %get3A_186 = arith.index_cast %select_n3A : i32 to index
      %get3A_187 = arith.index_cast %add3A_185 : i32 to index
      %get3A_188 = tpu.vector_load %arg7[%get3A_186, %get3A_187] {strides = array<i32>} : memref<80x128xi32, #tpu.memory_space<vmem>>, vector<1x16xi32>,
      %get3A_189 = vector.shape_cast %get3A_188 : vector<1x16xi32> to vector<16xi32>
      %swap3A_190 = arith.constant 48 : index
      %swap3A_191 = tpu.vector_load %arg11[%swap3A_190] {strides = array<i32>} : memref<64xi32, #tpu.memory_space<vmem>>, vector<16xi32>,
      %swap3A_192 = vector.shape_cast %swap3A_191 : vector<16xi32> to vector<16xi32>
      %swap3A_193 = vector.shape_cast %get3A_189 : vector<16xi32> to vector<16xi32>
      tpu.vector_store %arg11[%swap3A_190], %swap3A_193 {strides = array<i32>} : memref<64xi32, #tpu.memory_space<vmem>>, vector<16xi32>,
      %add3A_194 = arith.constant 48 : i32
      %add3A_195 = arith.addi %mul3A_123, %add3A_194 : i32
      %get3A_196 = arith.index_cast %select_n3A : i32 to index
      %get3A_197 = arith.index_cast %add3A_195 : i32 to index
      %get3A_198 = tpu.vector_load %arg8[%get3A_196, %get3A_197] {strides = array<i32>} : memref<80x128xi32, #tpu.memory_space<vmem>>, vector<1x16xi32>,
      %get3A_199 = vector.shape_cast %get3A_198 : vector<1x16xi32> to vector<16xi32>
      %swap3A_200 = arith.constant 48 : index
      %swap3A_201 = tpu.vector_load %arg12[%swap3A_200] {strides = array<i32>} : memref<64xi32, #tpu.memory_space<vmem>>, vector<16xi32>,
      %swap3A_202 = vector.shape_cast %swap3A_201 : vector<16xi32> to vector<16xi32>
      %swap3A_203 = vector.shape_cast %get3A_199 : vector<16xi32> to vector<16xi32>
      tpu.vector_store %arg12[%swap3A_200], %swap3A_203 {strides = array<i32>} : memref<64xi32, #tpu.memory_space<vmem>>, vector<16xi32>,
      %dma_start3A_204 = arith.constant 0 : i32
      %dma_start3A_205 = arith.constant 0 : i32
      %dma_start3A_206 = tpu.memref_slice %arg2[%dma_start3A_204, %dma_start3A_205] : memref<10000x128xf32, #tpu.memory_space<hbm>> -> memref<10000x128xf32, #tpu.memory_space<hbm>>
      tpu.enqueue_indirect_dma source(%dma_start3A_206 : memref<10000x128xf32, #tpu.memory_space<hbm>>) target(%arg14 : memref<64x128xf32, #tpu.memory_space<vmem>>) offsets(%arg11 : memref<64xi32, #tpu.memory_space<vmem>>) semaphore(%arg17 : memref<!tpu.dma_semaphore, #tpu.memory_space<semaphore_mem>>)
      %dma_wait3A = arith.constant 0 : i32
      %dma_wait3A_207 = arith.constant 0 : i32
      %dma_wait3A_208 = tpu.memref_slice %arg2[%dma_wait3A, %dma_wait3A_207] : memref<10000x128xf32, #tpu.memory_space<hbm>> -> memref<10000x128xf32, #tpu.memory_space<hbm>>
      tpu.wait_indirect_dma semaphore(%arg16 : memref<!tpu.dma_semaphore, #tpu.memory_space<semaphore_mem>>) src(%dma_wait3A_208 : memref<10000x128xf32, #tpu.memory_space<hbm>>) dst(%arg13 : memref<64x128xf32, #tpu.memory_space<vmem>>)
      "tpu.region"() ({
        %run_scoped3A = tpu.sem_alloc : memref<!tpu.dma_semaphore, #tpu.memory_space<semaphore_mem>>
        %dma_start3A_218 = arith.constant 0 : i32
        %dma_start3A_219 = arith.constant 0 : i32
        %dma_start3A_220 = tpu.memref_slice %arg15[%dma_start3A_218, %dma_start3A_219] : memref<10240x128xf32, #tpu.memory_space<vmem_shared>> -> memref<10240x128xf32, #tpu.memory_space<vmem_shared>>
        tpu.enqueue_indirect_dma source(%arg13 : memref<64x128xf32, #tpu.memory_space<vmem>>) target(%dma_start3A_220 : memref<10240x128xf32, #tpu.memory_space<vmem_shared>>) offsets(%arg10 : memref<64xi32, #tpu.memory_space<vmem>>) semaphore(%run_scoped3A : memref<!tpu.dma_semaphore, #tpu.memory_space<semaphore_mem>>) {add = true}
        %dma_wait3A_221 = arith.constant 0 : i32
        %dma_wait3A_222 = arith.constant 0 : i32
        %dma_wait3A_223 = tpu.memref_slice %arg15[%dma_wait3A_221, %dma_wait3A_222] : memref<10240x128xf32, #tpu.memory_space<vmem_shared>> -> memref<10240x128xf32, #tpu.memory_space<vmem_shared>>
        tpu.wait_indirect_dma semaphore(%run_scoped3A : memref<!tpu.dma_semaphore, #tpu.memory_space<semaphore_mem>>) src(%arg13 : memref<64x128xf32, #tpu.memory_space<vmem>>) dst(%dma_wait3A_223 : memref<10240x128xf32, #tpu.memory_space<vmem_shared>>)
        tpu.yield
      }) : () -> ()
      %add3A_209 = arith.constant 2 : i32
      %add3A_210 = arith.addi %mul3A_89, %add3A_209 : i32
      %lt3A_211 = arith.constant 160 : i32
      %lt3A_212 = arith.cmpi slt, %add3A_210, %lt3A_211 : i32
      %convert_element_type3A = arith.extui %lt3A_212 : i1 to i32
      %cond3A = arith.constant 0 : i32
      %cond3A_213 = arith.cmpi ne, %convert_element_type3A, %cond3A : i32
      scf.if %cond3A_213 {
        %add3A_218 = arith.constant 2 : i32
        %add3A_219 = arith.addi %mul3A_89, %add3A_218 : i32
        %jit3A_220 = arith.constant 2 : i32
        %div3A_221 = arith.divsi %add3A_219, %jit3A_220 : i32
        %sign3A_222 = arith.constant 0 : i32
        %sign3A_223 = arith.cmpi sgt, %add3A_219, %sign3A_222 : i32
        %sign3A_224 = arith.extui %sign3A_223 : i1 to i32
        %sign3A_225 = arith.constant 0 : i32
        %sign3A_226 = arith.cmpi slt, %add3A_219, %sign3A_225 : i32
        %sign3A_227 = arith.extui %sign3A_226 : i1 to i32
        %sign3A_228 = arith.subi %sign3A_224, %sign3A_227 : i32
        %sign3A_229 = arith.constant 0 : i32
        %sign3A_230 = arith.cmpi sgt, %jit3A_220, %sign3A_229 : i32
        %sign3A_231 = arith.extui %sign3A_230 : i1 to i32
        %sign3A_232 = arith.constant 0 : i32
        %sign3A_233 = arith.cmpi slt, %jit3A_220, %sign3A_232 : i32
        %sign3A_234 = arith.extui %sign3A_233 : i1 to i32
        %sign3A_235 = arith.subi %sign3A_231, %sign3A_234 : i32
        %ne3A_236 = arith.cmpi ne, %sign3A_228, %sign3A_235 : i32
        %rem3A_237 = arith.remsi %add3A_219, %jit3A_220 : i32
        %ne3A_238 = arith.constant 0 : i32
        %ne3A_239 = arith.cmpi ne, %rem3A_237, %ne3A_238 : i32
        %and3A_240 = arith.andi %ne3A_236, %ne3A_239 : i1
        %sub3A_241 = arith.constant 1 : i32
        %sub3A_242 = arith.subi %div3A_221, %sub3A_241 : i32
        %select_n3A_243 = arith.select %and3A_240, %sub3A_242, %div3A_221 : i32
        %jit3A_244 = arith.constant 2 : i32
        %eq3A_245 = arith.constant 0 : i32
        %eq3A_246 = arith.cmpi eq, %jit3A_244, %eq3A_245 : i32
        %jit3A_247 = arith.constant 1 : i32
        %select_n3A_248 = arith.select %eq3A_246, %jit3A_247, %jit3A_244 : i32
        %rem3A_249 = arith.remsi %add3A_219, %select_n3A_248 : i32
        %ne3A_250 = arith.constant 0 : i32
        %ne3A_251 = arith.cmpi ne, %rem3A_249, %ne3A_250 : i32
        %lt3A_252 = arith.constant 0 : i32
        %lt3A_253 = arith.cmpi slt, %rem3A_249, %lt3A_252 : i32
        %lt3A_254 = arith.constant 0 : i32
        %lt3A_255 = arith.cmpi slt, %select_n3A_248, %lt3A_254 : i32
        %ne3A_256 = arith.xori %lt3A_253, %lt3A_255 : i1
        %and3A_257 = arith.andi %ne3A_256, %ne3A_251 : i1
        %add3A_258 = arith.addi %rem3A_249, %select_n3A_248 : i32
        %select_n3A_259 = arith.select %and3A_257, %add3A_258, %rem3A_249 : i32
        %mul3A_260 = arith.constant 64 : i32
        %mul3A_261 = arith.muli %select_n3A_259, %mul3A_260 : i32
        %add3A_262 = arith.constant 0 : i32
        %add3A_263 = arith.addi %mul3A_261, %add3A_262 : i32
        %get3A_264 = arith.index_cast %select_n3A_243 : i32 to index
        %get3A_265 = arith.index_cast %add3A_263 : i32 to index
        %get3A_266 = tpu.vector_load %arg7[%get3A_264, %get3A_265] {strides = array<i32>} : memref<80x128xi32, #tpu.memory_space<vmem>>, vector<1x16xi32>,
        %get3A_267 = vector.shape_cast %get3A_266 : vector<1x16xi32> to vector<16xi32>
        %swap3A_268 = arith.constant 0 : index
        %swap3A_269 = tpu.vector_load %arg9[%swap3A_268] {strides = array<i32>} : memref<64xi32, #tpu.memory_space<vmem>>, vector<16xi32>,
        %swap3A_270 = vector.shape_cast %swap3A_269 : vector<16xi32> to vector<16xi32>
        %swap3A_271 = vector.shape_cast %get3A_267 : vector<16xi32> to vector<16xi32>
        tpu.vector_store %arg9[%swap3A_268], %swap3A_271 {strides = array<i32>} : memref<64xi32, #tpu.memory_space<vmem>>, vector<16xi32>,
        %add3A_272 = arith.constant 0 : i32
        %add3A_273 = arith.addi %mul3A_261, %add3A_272 : i32
        %get3A_274 = arith.index_cast %select_n3A_243 : i32 to index
        %get3A_275 = arith.index_cast %add3A_273 : i32 to index
        %get3A_276 = tpu.vector_load %arg8[%get3A_274, %get3A_275] {strides = array<i32>} : memref<80x128xi32, #tpu.memory_space<vmem>>, vector<1x16xi32>,
        %get3A_277 = vector.shape_cast %get3A_276 : vector<1x16xi32> to vector<16xi32>
        %swap3A_278 = arith.constant 0 : index
        %swap3A_279 = tpu.vector_load %arg10[%swap3A_278] {strides = array<i32>} : memref<64xi32, #tpu.memory_space<vmem>>, vector<16xi32>,
        %swap3A_280 = vector.shape_cast %swap3A_279 : vector<16xi32> to vector<16xi32>
        %swap3A_281 = vector.shape_cast %get3A_277 : vector<16xi32> to vector<16xi32>
        tpu.vector_store %arg10[%swap3A_278], %swap3A_281 {strides = array<i32>} : memref<64xi32, #tpu.memory_space<vmem>>, vector<16xi32>,
        %add3A_282 = arith.constant 16 : i32
        %add3A_283 = arith.addi %mul3A_261, %add3A_282 : i32
        %get3A_284 = arith.index_cast %select_n3A_243 : i32 to index
        %get3A_285 = arith.index_cast %add3A_283 : i32 to index
        %get3A_286 = tpu.vector_load %arg7[%get3A_284, %get3A_285] {strides = array<i32>} : memref<80x128xi32, #tpu.memory_space<vmem>>, vector<1x16xi32>,
        %get3A_287 = vector.shape_cast %get3A_286 : vector<1x16xi32> to vector<16xi32>
        %swap3A_288 = arith.constant 16 : index
        %swap3A_289 = tpu.vector_load %arg9[%swap3A_288] {strides = array<i32>} : memref<64xi32, #tpu.memory_space<vmem>>, vector<16xi32>,
        %swap3A_290 = vector.shape_cast %swap3A_289 : vector<16xi32> to vector<16xi32>
        %swap3A_291 = vector.shape_cast %get3A_287 : vector<16xi32> to vector<16xi32>
        tpu.vector_store %arg9[%swap3A_288], %swap3A_291 {strides = array<i32>} : memref<64xi32, #tpu.memory_space<vmem>>, vector<16xi32>,
        %add3A_292 = arith.constant 16 : i32
        %add3A_293 = arith.addi %mul3A_261, %add3A_292 : i32
        %get3A_294 = arith.index_cast %select_n3A_243 : i32 to index
        %get3A_295 = arith.index_cast %add3A_293 : i32 to index
        %get3A_296 = tpu.vector_load %arg8[%get3A_294, %get3A_295] {strides = array<i32>} : memref<80x128xi32, #tpu.memory_space<vmem>>, vector<1x16xi32>,
        %get3A_297 = vector.shape_cast %get3A_296 : vector<1x16xi32> to vector<16xi32>
        %swap3A_298 = arith.constant 16 : index
        %swap3A_299 = tpu.vector_load %arg10[%swap3A_298] {strides = array<i32>} : memref<64xi32, #tpu.memory_space<vmem>>, vector<16xi32>,
        %swap3A_300 = vector.shape_cast %swap3A_299 : vector<16xi32> to vector<16xi32>
        %swap3A_301 = vector.shape_cast %get3A_297 : vector<16xi32> to vector<16xi32>
        tpu.vector_store %arg10[%swap3A_298], %swap3A_301 {strides = array<i32>} : memref<64xi32, #tpu.memory_space<vmem>>, vector<16xi32>,
        %add3A_302 = arith.constant 32 : i32
        %add3A_303 = arith.addi %mul3A_261, %add3A_302 : i32
        %get3A_304 = arith.index_cast %select_n3A_243 : i32 to index
        %get3A_305 = arith.index_cast %add3A_303 : i32 to index
        %get3A_306 = tpu.vector_load %arg7[%get3A_304, %get3A_305] {strides = array<i32>} : memref<80x128xi32, #tpu.memory_space<vmem>>, vector<1x16xi32>,
        %get3A_307 = vector.shape_cast %get3A_306 : vector<1x16xi32> to vector<16xi32>
        %swap3A_308 = arith.constant 32 : index
        %swap3A_309 = tpu.vector_load %arg9[%swap3A_308] {strides = array<i32>} : memref<64xi32, #tpu.memory_space<vmem>>, vector<16xi32>,
        %swap3A_310 = vector.shape_cast %swap3A_309 : vector<16xi32> to vector<16xi32>
        %swap3A_311 = vector.shape_cast %get3A_307 : vector<16xi32> to vector<16xi32>
        tpu.vector_store %arg9[%swap3A_308], %swap3A_311 {strides = array<i32>} : memref<64xi32, #tpu.memory_space<vmem>>, vector<16xi32>,
        %add3A_312 = arith.constant 32 : i32
        %add3A_313 = arith.addi %mul3A_261, %add3A_312 : i32
        %get3A_314 = arith.index_cast %select_n3A_243 : i32 to index
        %get3A_315 = arith.index_cast %add3A_313 : i32 to index
        %get3A_316 = tpu.vector_load %arg8[%get3A_314, %get3A_315] {strides = array<i32>} : memref<80x128xi32, #tpu.memory_space<vmem>>, vector<1x16xi32>,
        %get3A_317 = vector.shape_cast %get3A_316 : vector<1x16xi32> to vector<16xi32>
        %swap3A_318 = arith.constant 32 : index
        %swap3A_319 = tpu.vector_load %arg10[%swap3A_318] {strides = array<i32>} : memref<64xi32, #tpu.memory_space<vmem>>, vector<16xi32>,
        %swap3A_320 = vector.shape_cast %swap3A_319 : vector<16xi32> to vector<16xi32>
        %swap3A_321 = vector.shape_cast %get3A_317 : vector<16xi32> to vector<16xi32>
        tpu.vector_store %arg10[%swap3A_318], %swap3A_321 {strides = array<i32>} : memref<64xi32, #tpu.memory_space<vmem>>, vector<16xi32>,
        %add3A_322 = arith.constant 48 : i32
        %add3A_323 = arith.addi %mul3A_261, %add3A_322 : i32
        %get3A_324 = arith.index_cast %select_n3A_243 : i32 to index
        %get3A_325 = arith.index_cast %add3A_323 : i32 to index
        %get3A_326 = tpu.vector_load %arg7[%get3A_324, %get3A_325] {strides = array<i32>} : memref<80x128xi32, #tpu.memory_space<vmem>>, vector<1x16xi32>,
        %get3A_327 = vector.shape_cast %get3A_326 : vector<1x16xi32> to vector<16xi32>
        %swap3A_328 = arith.constant 48 : index
        %swap3A_329 = tpu.vector_load %arg9[%swap3A_328] {strides = array<i32>} : memref<64xi32, #tpu.memory_space<vmem>>, vector<16xi32>,
        %swap3A_330 = vector.shape_cast %swap3A_329 : vector<16xi32> to vector<16xi32>
        %swap3A_331 = vector.shape_cast %get3A_327 : vector<16xi32> to vector<16xi32>
        tpu.vector_store %arg9[%swap3A_328], %swap3A_331 {strides = array<i32>} : memref<64xi32, #tpu.memory_space<vmem>>, vector<16xi32>,
        %add3A_332 = arith.constant 48 : i32
        %add3A_333 = arith.addi %mul3A_261, %add3A_332 : i32
        %get3A_334 = arith.index_cast %select_n3A_243 : i32 to index
        %get3A_335 = arith.index_cast %add3A_333 : i32 to index
        %get3A_336 = tpu.vector_load %arg8[%get3A_334, %get3A_335] {strides = array<i32>} : memref<80x128xi32, #tpu.memory_space<vmem>>, vector<1x16xi32>,
        %get3A_337 = vector.shape_cast %get3A_336 : vector<1x16xi32> to vector<16xi32>
        %swap3A_338 = arith.constant 48 : index
        %swap3A_339 = tpu.vector_load %arg10[%swap3A_338] {strides = array<i32>} : memref<64xi32, #tpu.memory_space<vmem>>, vector<16xi32>,
        %swap3A_340 = vector.shape_cast %swap3A_339 : vector<16xi32> to vector<16xi32>
        %swap3A_341 = vector.shape_cast %get3A_337 : vector<16xi32> to vector<16xi32>
        tpu.vector_store %arg10[%swap3A_338], %swap3A_341 {strides = array<i32>} : memref<64xi32, #tpu.memory_space<vmem>>, vector<16xi32>,
        %dma_start3A_342 = arith.constant 0 : i32
        %dma_start3A_343 = arith.constant 0 : i32
        %dma_start3A_344 = tpu.memref_slice %arg2[%dma_start3A_342, %dma_start3A_343] : memref<10000x128xf32, #tpu.memory_space<hbm>> -> memref<10000x128xf32, #tpu.memory_space<hbm>>
        tpu.enqueue_indirect_dma source(%dma_start3A_344 : memref<10000x128xf32, #tpu.memory_space<hbm>>) target(%arg13 : memref<64x128xf32, #tpu.memory_space<vmem>>) offsets(%arg9 : memref<64xi32, #tpu.memory_space<vmem>>) semaphore(%arg16 : memref<!tpu.dma_semaphore, #tpu.memory_space<semaphore_mem>>)
      } else {
      }
      %dma_wait3A_214 = arith.constant 0 : i32
      %dma_wait3A_215 = arith.constant 0 : i32
      %dma_wait3A_216 = tpu.memref_slice %arg2[%dma_wait3A_214, %dma_wait3A_215] : memref<10000x128xf32, #tpu.memory_space<hbm>> -> memref<10000x128xf32, #tpu.memory_space<hbm>>
      tpu.wait_indirect_dma semaphore(%arg17 : memref<!tpu.dma_semaphore, #tpu.memory_space<semaphore_mem>>) src(%dma_wait3A_216 : memref<10000x128xf32, #tpu.memory_space<hbm>>) dst(%arg14 : memref<64x128xf32, #tpu.memory_space<vmem>>)
      "tpu.region"() ({
        %run_scoped3A = tpu.sem_alloc : memref<!tpu.dma_semaphore, #tpu.memory_space<semaphore_mem>>
        %dma_start3A_218 = arith.constant 0 : i32
        %dma_start3A_219 = arith.constant 0 : i32
        %dma_start3A_220 = tpu.memref_slice %arg15[%dma_start3A_218, %dma_start3A_219] : memref<10240x128xf32, #tpu.memory_space<vmem_shared>> -> memref<10240x128xf32, #tpu.memory_space<vmem_shared>>
        tpu.enqueue_indirect_dma source(%arg14 : memref<64x128xf32, #tpu.memory_space<vmem>>) target(%dma_start3A_220 : memref<10240x128xf32, #tpu.memory_space<vmem_shared>>) offsets(%arg12 : memref<64xi32, #tpu.memory_space<vmem>>) semaphore(%run_scoped3A : memref<!tpu.dma_semaphore, #tpu.memory_space<semaphore_mem>>) {add = true}
        %dma_wait3A_221 = arith.constant 0 : i32
        %dma_wait3A_222 = arith.constant 0 : i32
        %dma_wait3A_223 = tpu.memref_slice %arg15[%dma_wait3A_221, %dma_wait3A_222] : memref<10240x128xf32, #tpu.memory_space<vmem_shared>> -> memref<10240x128xf32, #tpu.memory_space<vmem_shared>>
        tpu.wait_indirect_dma semaphore(%run_scoped3A : memref<!tpu.dma_semaphore, #tpu.memory_space<semaphore_mem>>) src(%arg14 : memref<64x128xf32, #tpu.memory_space<vmem>>) dst(%dma_wait3A_223 : memref<10240x128xf32, #tpu.memory_space<vmem_shared>>)
        tpu.yield
      }) : () -> ()
      %scan3A_217 = arith.constant 0 : i32
      scf.yield %scan3A_217 : i32
    }
    %scan3A_80 = arith.constant 80 : i32
    %barrier3A_81 = arith.constant 0 : index
    tpu.barrier barrier_id(%barrier3A_81)
    %mul3A_82 = arith.constant 640 : i32
    %mul3A_83 = arith.muli %arg1, %mul3A_82 : i32
    %mul3A_84 = arith.constant 640 : i32
    %mul3A_85 = arith.muli %arg1, %mul3A_84 : i32
    "tpu.region"() ({
      %run_scoped3A = tpu.sem_alloc : memref<!tpu.dma_semaphore, #tpu.memory_space<semaphore_mem>>
      %dma_start3A_86 = arith.constant 0 : i32
      %dma_start3A_87 = tpu.memref_slice %arg6[%arg0, %mul3A_85, %dma_start3A_86] : memref<2x10240x128xf32, #tpu.memory_space<hbm>> -> memref<1x640x128xf32, #tpu.memory_space<hbm>>
      %dma_start3A_88 = tpu.memref_squeeze %dma_start3A_87 : memref<1x640x128xf32, #tpu.memory_space<hbm>> -> memref<640x128xf32, #tpu.memory_space<hbm>>
      %dma_start3A_89 = arith.constant 0 : i32
      %dma_start3A_90 = tpu.memref_slice %arg15[%mul3A_83, %dma_start3A_89] : memref<10240x128xf32, #tpu.memory_space<vmem_shared>> -> memref<640x128xf32, #tpu.memory_space<vmem_shared>>
      tpu.enqueue_dma source(%dma_start3A_90 : memref<640x128xf32, #tpu.memory_space<vmem_shared>>) target(%dma_start3A_88 : memref<640x128xf32, #tpu.memory_space<hbm>>) target_semaphore(%run_scoped3A : memref<!tpu.dma_semaphore, #tpu.memory_space<semaphore_mem>>)
      %dma_wait3A = arith.constant 0 : i32
      %dma_wait3A_91 = tpu.memref_slice %arg6[%arg0, %mul3A_85, %dma_wait3A] : memref<2x10240x128xf32, #tpu.memory_space<hbm>> -> memref<1x640x128xf32, #tpu.memory_space<hbm>>
      %dma_wait3A_92 = tpu.memref_squeeze %dma_wait3A_91 : memref<1x640x128xf32, #tpu.memory_space<hbm>> -> memref<640x128xf32, #tpu.memory_space<hbm>>
      %dma_wait3A_93 = arith.constant 0 : i32
      %dma_wait3A_94 = tpu.memref_slice %arg15[%mul3A_83, %dma_wait3A_93] : memref<10240x128xf32, #tpu.memory_space<vmem_shared>> -> memref<640x128xf32, #tpu.memory_space<vmem_shared>>
      tpu.wait_dma2 semaphore(%run_scoped3A : memref<!tpu.dma_semaphore, #tpu.memory_space<semaphore_mem>>) src(%dma_wait3A_94 : memref<640x128xf32, #tpu.memory_space<vmem_shared>>) dst(%dma_wait3A_92 : memref<640x128xf32, #tpu.memory_space<hbm>>)
      tpu.yield
    }) : () -> ()
    return
  }
}

#map = affine_map<(d0, d1) -> (0, 0, 0)>
#map1 = affine_map<(d0, d1) -> (0, 0)>
module attributes {stable_mosaic.version = 14 : i64} {
  func.func @_deg_body(%arg0: i32, %arg1: i32, %arg2: memref<32x80x128xi32, #tpu.memory_space<hbm>>, %arg3: memref<640x128xf32, #tpu.memory_space<hbm>>, %arg4: memref<2x10240x128xf32, #tpu.memory_space<hbm>>, %arg5: memref<80x128xi32, #tpu.memory_space<vmem>>, %arg6: memref<128xi32, #tpu.memory_space<vmem>>, %arg7: memref<128x128xf32, #tpu.memory_space<vmem>>, %arg8: memref<10240x128xf32, #tpu.memory_space<vmem_shared>>) attributes {dimension_semantics = [#tpu.dimension_semantics<core_parallel>, #tpu.dimension_semantics<subcore_parallel>], iteration_bounds = array<i64: 2, 16>, scalar_prefetch = 0 : i64, scratch_operands = 4 : i64, tpu.core_type = #tpu.core_type<sc_vector_subcore>, window_params = [{transform_indices = #map}, {transform_indices = #map1}, {transform_indices = #map}]} {
    %mul3A = arith.constant 16 : i32
    %mul3A_0 = arith.muli %arg0, %mul3A : i32
    %add3A = arith.addi %mul3A_0, %arg1 : i32
    %mul3A_1 = arith.constant 640 : i32
    %mul3A_2 = arith.muli %arg1, %mul3A_1 : i32
    "tpu.region"() ({
      %run_scoped3A = tpu.sem_alloc : memref<!tpu.dma_semaphore, #tpu.memory_space<semaphore_mem>>
      %dma_start3A = arith.constant 0 : i32
      %dma_start3A_21 = tpu.memref_slice %arg8[%mul3A_2, %dma_start3A] : memref<10240x128xf32, #tpu.memory_space<vmem_shared>> -> memref<640x128xf32, #tpu.memory_space<vmem_shared>>
      tpu.enqueue_dma source(%arg3 : memref<640x128xf32, #tpu.memory_space<hbm>>) target(%dma_start3A_21 : memref<640x128xf32, #tpu.memory_space<vmem_shared>>) target_semaphore(%run_scoped3A : memref<!tpu.dma_semaphore, #tpu.memory_space<semaphore_mem>>)
      %dma_wait3A = arith.constant 0 : i32
      %dma_wait3A_22 = tpu.memref_slice %arg8[%mul3A_2, %dma_wait3A] : memref<10240x128xf32, #tpu.memory_space<vmem_shared>> -> memref<640x128xf32, #tpu.memory_space<vmem_shared>>
      tpu.wait_dma2 semaphore(%run_scoped3A : memref<!tpu.dma_semaphore, #tpu.memory_space<semaphore_mem>>) src(%arg3 : memref<640x128xf32, #tpu.memory_space<hbm>>) dst(%dma_wait3A_22 : memref<640x128xf32, #tpu.memory_space<vmem_shared>>)
      tpu.yield
    }) : () -> ()
    %scan3A = arith.constant 0 : i32
    %scan3A_3 = arith.constant 0 : i32
    %scan3A_4 = arith.constant 128 : i32
    %scan3A_5 = arith.addi %scan3A_3, %scan3A_4 : i32
    %scan3A_6 = arith.constant 1 : i32
    %scan3A_7 = scf.for %scan3A_21 = %scan3A_3 to %scan3A_5 step %scan3A_6 iter_args(%scan3A_22 = %scan3A) -> (i32)  : i32 {
      %broadcast_in_dim3A = arith.constant 1.000000e+00 : f32
      %broadcast_in_dim3A_23 = vector.broadcast %broadcast_in_dim3A : f32 to vector<16xf32>
      %swap3A = arith.index_cast %scan3A_21 : i32 to index
      %swap3A_24 = arith.constant 0 : index
      %swap3A_25 = tpu.vector_load %arg7[%swap3A, %swap3A_24] {strides = array<i32>} : memref<128x128xf32, #tpu.memory_space<vmem>>, vector<1x16xf32>,
      %swap3A_26 = vector.shape_cast %swap3A_25 : vector<1x16xf32> to vector<16xf32>
      %swap3A_27 = vector.shape_cast %broadcast_in_dim3A_23 : vector<16xf32> to vector<1x16xf32>
      tpu.vector_store %arg7[%swap3A, %swap3A_24], %swap3A_27 {strides = array<i32>} : memref<128x128xf32, #tpu.memory_space<vmem>>, vector<1x16xf32>,
      %broadcast_in_dim3A_28 = arith.constant 1.000000e+00 : f32
      %broadcast_in_dim3A_29 = vector.broadcast %broadcast_in_dim3A_28 : f32 to vector<16xf32>
      %swap3A_30 = arith.index_cast %scan3A_21 : i32 to index
      %swap3A_31 = arith.constant 16 : index
      %swap3A_32 = tpu.vector_load %arg7[%swap3A_30, %swap3A_31] {strides = array<i32>} : memref<128x128xf32, #tpu.memory_space<vmem>>, vector<1x16xf32>,
      %swap3A_33 = vector.shape_cast %swap3A_32 : vector<1x16xf32> to vector<16xf32>
      %swap3A_34 = vector.shape_cast %broadcast_in_dim3A_29 : vector<16xf32> to vector<1x16xf32>
      tpu.vector_store %arg7[%swap3A_30, %swap3A_31], %swap3A_34 {strides = array<i32>} : memref<128x128xf32, #tpu.memory_space<vmem>>, vector<1x16xf32>,
      %broadcast_in_dim3A_35 = arith.constant 1.000000e+00 : f32
      %broadcast_in_dim3A_36 = vector.broadcast %broadcast_in_dim3A_35 : f32 to vector<16xf32>
      %swap3A_37 = arith.index_cast %scan3A_21 : i32 to index
      %swap3A_38 = arith.constant 32 : index
      %swap3A_39 = tpu.vector_load %arg7[%swap3A_37, %swap3A_38] {strides = array<i32>} : memref<128x128xf32, #tpu.memory_space<vmem>>, vector<1x16xf32>,
      %swap3A_40 = vector.shape_cast %swap3A_39 : vector<1x16xf32> to vector<16xf32>
      %swap3A_41 = vector.shape_cast %broadcast_in_dim3A_36 : vector<16xf32> to vector<1x16xf32>
      tpu.vector_store %arg7[%swap3A_37, %swap3A_38], %swap3A_41 {strides = array<i32>} : memref<128x128xf32, #tpu.memory_space<vmem>>, vector<1x16xf32>,
      %broadcast_in_dim3A_42 = arith.constant 1.000000e+00 : f32
      %broadcast_in_dim3A_43 = vector.broadcast %broadcast_in_dim3A_42 : f32 to vector<16xf32>
      %swap3A_44 = arith.index_cast %scan3A_21 : i32 to index
      %swap3A_45 = arith.constant 48 : index
      %swap3A_46 = tpu.vector_load %arg7[%swap3A_44, %swap3A_45] {strides = array<i32>} : memref<128x128xf32, #tpu.memory_space<vmem>>, vector<1x16xf32>,
      %swap3A_47 = vector.shape_cast %swap3A_46 : vector<1x16xf32> to vector<16xf32>
      %swap3A_48 = vector.shape_cast %broadcast_in_dim3A_43 : vector<16xf32> to vector<1x16xf32>
      tpu.vector_store %arg7[%swap3A_44, %swap3A_45], %swap3A_48 {strides = array<i32>} : memref<128x128xf32, #tpu.memory_space<vmem>>, vector<1x16xf32>,
      %broadcast_in_dim3A_49 = arith.constant 1.000000e+00 : f32
      %broadcast_in_dim3A_50 = vector.broadcast %broadcast_in_dim3A_49 : f32 to vector<16xf32>
      %swap3A_51 = arith.index_cast %scan3A_21 : i32 to index
      %swap3A_52 = arith.constant 64 : index
      %swap3A_53 = tpu.vector_load %arg7[%swap3A_51, %swap3A_52] {strides = array<i32>} : memref<128x128xf32, #tpu.memory_space<vmem>>, vector<1x16xf32>,
      %swap3A_54 = vector.shape_cast %swap3A_53 : vector<1x16xf32> to vector<16xf32>
      %swap3A_55 = vector.shape_cast %broadcast_in_dim3A_50 : vector<16xf32> to vector<1x16xf32>
      tpu.vector_store %arg7[%swap3A_51, %swap3A_52], %swap3A_55 {strides = array<i32>} : memref<128x128xf32, #tpu.memory_space<vmem>>, vector<1x16xf32>,
      %broadcast_in_dim3A_56 = arith.constant 1.000000e+00 : f32
      %broadcast_in_dim3A_57 = vector.broadcast %broadcast_in_dim3A_56 : f32 to vector<16xf32>
      %swap3A_58 = arith.index_cast %scan3A_21 : i32 to index
      %swap3A_59 = arith.constant 80 : index
      %swap3A_60 = tpu.vector_load %arg7[%swap3A_58, %swap3A_59] {strides = array<i32>} : memref<128x128xf32, #tpu.memory_space<vmem>>, vector<1x16xf32>,
      %swap3A_61 = vector.shape_cast %swap3A_60 : vector<1x16xf32> to vector<16xf32>
      %swap3A_62 = vector.shape_cast %broadcast_in_dim3A_57 : vector<16xf32> to vector<1x16xf32>
      tpu.vector_store %arg7[%swap3A_58, %swap3A_59], %swap3A_62 {strides = array<i32>} : memref<128x128xf32, #tpu.memory_space<vmem>>, vector<1x16xf32>,
      %broadcast_in_dim3A_63 = arith.constant 1.000000e+00 : f32
      %broadcast_in_dim3A_64 = vector.broadcast %broadcast_in_dim3A_63 : f32 to vector<16xf32>
      %swap3A_65 = arith.index_cast %scan3A_21 : i32 to index
      %swap3A_66 = arith.constant 96 : index
      %swap3A_67 = tpu.vector_load %arg7[%swap3A_65, %swap3A_66] {strides = array<i32>} : memref<128x128xf32, #tpu.memory_space<vmem>>, vector<1x16xf32>,
      %swap3A_68 = vector.shape_cast %swap3A_67 : vector<1x16xf32> to vector<16xf32>
      %swap3A_69 = vector.shape_cast %broadcast_in_dim3A_64 : vector<16xf32> to vector<1x16xf32>
      tpu.vector_store %arg7[%swap3A_65, %swap3A_66], %swap3A_69 {strides = array<i32>} : memref<128x128xf32, #tpu.memory_space<vmem>>, vector<1x16xf32>,
      %broadcast_in_dim3A_70 = arith.constant 1.000000e+00 : f32
      %broadcast_in_dim3A_71 = vector.broadcast %broadcast_in_dim3A_70 : f32 to vector<16xf32>
      %swap3A_72 = arith.index_cast %scan3A_21 : i32 to index
      %swap3A_73 = arith.constant 112 : index
      %swap3A_74 = tpu.vector_load %arg7[%swap3A_72, %swap3A_73] {strides = array<i32>} : memref<128x128xf32, #tpu.memory_space<vmem>>, vector<1x16xf32>,
      %swap3A_75 = vector.shape_cast %swap3A_74 : vector<1x16xf32> to vector<16xf32>
      %swap3A_76 = vector.shape_cast %broadcast_in_dim3A_71 : vector<16xf32> to vector<1x16xf32>
      tpu.vector_store %arg7[%swap3A_72, %swap3A_73], %swap3A_76 {strides = array<i32>} : memref<128x128xf32, #tpu.memory_space<vmem>>, vector<1x16xf32>,
      %scan3A_77 = arith.constant 0 : i32
      scf.yield %scan3A_77 : i32
    }
    %scan3A_8 = arith.constant 128 : i32
    %barrier3A = arith.constant 0 : index
    tpu.barrier barrier_id(%barrier3A)
    "tpu.region"() ({
      %run_scoped3A = tpu.sem_alloc : memref<!tpu.dma_semaphore, #tpu.memory_space<semaphore_mem>>
      %dma_start3A = arith.constant 0 : i32
      %dma_start3A_21 = arith.constant 0 : i32
      %dma_start3A_22 = tpu.memref_slice %arg2[%add3A, %dma_start3A, %dma_start3A_21] : memref<32x80x128xi32, #tpu.memory_space<hbm>> -> memref<1x80x128xi32, #tpu.memory_space<hbm>>
      %dma_start3A_23 = tpu.memref_squeeze %dma_start3A_22 : memref<1x80x128xi32, #tpu.memory_space<hbm>> -> memref<80x128xi32, #tpu.memory_space<hbm>>
      %dma_start3A_24 = arith.constant 0 : i32
      %dma_start3A_25 = arith.constant 0 : i32
      %dma_start3A_26 = tpu.memref_slice %arg2[%add3A, %dma_start3A_24, %dma_start3A_25] : memref<32x80x128xi32, #tpu.memory_space<hbm>> -> memref<1x80x128xi32, #tpu.memory_space<hbm>>
      %dma_start3A_27 = tpu.memref_squeeze %dma_start3A_26 : memref<1x80x128xi32, #tpu.memory_space<hbm>> -> memref<80x128xi32, #tpu.memory_space<hbm>>
      tpu.enqueue_dma source(%dma_start3A_27 : memref<80x128xi32, #tpu.memory_space<hbm>>) target(%arg5 : memref<80x128xi32, #tpu.memory_space<vmem>>) target_semaphore(%run_scoped3A : memref<!tpu.dma_semaphore, #tpu.memory_space<semaphore_mem>>)
      %dma_wait3A = arith.constant 0 : i32
      %dma_wait3A_28 = arith.constant 0 : i32
      %dma_wait3A_29 = tpu.memref_slice %arg2[%add3A, %dma_wait3A, %dma_wait3A_28] : memref<32x80x128xi32, #tpu.memory_space<hbm>> -> memref<1x80x128xi32, #tpu.memory_space<hbm>>
      %dma_wait3A_30 = tpu.memref_squeeze %dma_wait3A_29 : memref<1x80x128xi32, #tpu.memory_space<hbm>> -> memref<80x128xi32, #tpu.memory_space<hbm>>
      %dma_wait3A_31 = arith.constant 0 : i32
      %dma_wait3A_32 = arith.constant 0 : i32
      %dma_wait3A_33 = tpu.memref_slice %arg2[%add3A, %dma_wait3A_31, %dma_wait3A_32] : memref<32x80x128xi32, #tpu.memory_space<hbm>> -> memref<1x80x128xi32, #tpu.memory_space<hbm>>
      %dma_wait3A_34 = tpu.memref_squeeze %dma_wait3A_33 : memref<1x80x128xi32, #tpu.memory_space<hbm>> -> memref<80x128xi32, #tpu.memory_space<hbm>>
      tpu.wait_dma2 semaphore(%run_scoped3A : memref<!tpu.dma_semaphore, #tpu.memory_space<semaphore_mem>>) src(%dma_wait3A_34 : memref<80x128xi32, #tpu.memory_space<hbm>>) dst(%arg5 : memref<80x128xi32, #tpu.memory_space<vmem>>)
      tpu.yield
    }) : () -> ()
    %scan3A_9 = arith.constant 0 : i32
    %scan3A_10 = arith.constant 0 : i32
    %scan3A_11 = arith.constant 80 : i32
    %scan3A_12 = arith.addi %scan3A_10, %scan3A_11 : i32
    %scan3A_13 = arith.constant 1 : i32
    %scan3A_14 = scf.for %scan3A_21 = %scan3A_10 to %scan3A_12 step %scan3A_13 iter_args(%scan3A_22 = %scan3A_9) -> (i32)  : i32 {
      %get3A = arith.index_cast %scan3A_21 : i32 to index
      %get3A_23 = arith.constant 0 : index
      %get3A_24 = tpu.vector_load %arg5[%get3A, %get3A_23] {strides = array<i32>} : memref<80x128xi32, #tpu.memory_space<vmem>>, vector<1x16xi32>,
      %get3A_25 = vector.shape_cast %get3A_24 : vector<1x16xi32> to vector<16xi32>
      %swap3A = arith.constant 0 : index
      %swap3A_26 = tpu.vector_load %arg6[%swap3A] {strides = array<i32>} : memref<128xi32, #tpu.memory_space<vmem>>, vector<16xi32>,
      %swap3A_27 = vector.shape_cast %swap3A_26 : vector<16xi32> to vector<16xi32>
      %swap3A_28 = vector.shape_cast %get3A_25 : vector<16xi32> to vector<16xi32>
      tpu.vector_store %arg6[%swap3A], %swap3A_28 {strides = array<i32>} : memref<128xi32, #tpu.memory_space<vmem>>, vector<16xi32>,
      %get3A_29 = arith.index_cast %scan3A_21 : i32 to index
      %get3A_30 = arith.constant 16 : index
      %get3A_31 = tpu.vector_load %arg5[%get3A_29, %get3A_30] {strides = array<i32>} : memref<80x128xi32, #tpu.memory_space<vmem>>, vector<1x16xi32>,
      %get3A_32 = vector.shape_cast %get3A_31 : vector<1x16xi32> to vector<16xi32>
      %swap3A_33 = arith.constant 16 : index
      %swap3A_34 = tpu.vector_load %arg6[%swap3A_33] {strides = array<i32>} : memref<128xi32, #tpu.memory_space<vmem>>, vector<16xi32>,
      %swap3A_35 = vector.shape_cast %swap3A_34 : vector<16xi32> to vector<16xi32>
      %swap3A_36 = vector.shape_cast %get3A_32 : vector<16xi32> to vector<16xi32>
      tpu.vector_store %arg6[%swap3A_33], %swap3A_36 {strides = array<i32>} : memref<128xi32, #tpu.memory_space<vmem>>, vector<16xi32>,
      %get3A_37 = arith.index_cast %scan3A_21 : i32 to index
      %get3A_38 = arith.constant 32 : index
      %get3A_39 = tpu.vector_load %arg5[%get3A_37, %get3A_38] {strides = array<i32>} : memref<80x128xi32, #tpu.memory_space<vmem>>, vector<1x16xi32>,
      %get3A_40 = vector.shape_cast %get3A_39 : vector<1x16xi32> to vector<16xi32>
      %swap3A_41 = arith.constant 32 : index
      %swap3A_42 = tpu.vector_load %arg6[%swap3A_41] {strides = array<i32>} : memref<128xi32, #tpu.memory_space<vmem>>, vector<16xi32>,
      %swap3A_43 = vector.shape_cast %swap3A_42 : vector<16xi32> to vector<16xi32>
      %swap3A_44 = vector.shape_cast %get3A_40 : vector<16xi32> to vector<16xi32>
      tpu.vector_store %arg6[%swap3A_41], %swap3A_44 {strides = array<i32>} : memref<128xi32, #tpu.memory_space<vmem>>, vector<16xi32>,
      %get3A_45 = arith.index_cast %scan3A_21 : i32 to index
      %get3A_46 = arith.constant 48 : index
      %get3A_47 = tpu.vector_load %arg5[%get3A_45, %get3A_46] {strides = array<i32>} : memref<80x128xi32, #tpu.memory_space<vmem>>, vector<1x16xi32>,
      %get3A_48 = vector.shape_cast %get3A_47 : vector<1x16xi32> to vector<16xi32>
      %swap3A_49 = arith.constant 48 : index
      %swap3A_50 = tpu.vector_load %arg6[%swap3A_49] {strides = array<i32>} : memref<128xi32, #tpu.memory_space<vmem>>, vector<16xi32>,
      %swap3A_51 = vector.shape_cast %swap3A_50 : vector<16xi32> to vector<16xi32>
      %swap3A_52 = vector.shape_cast %get3A_48 : vector<16xi32> to vector<16xi32>
      tpu.vector_store %arg6[%swap3A_49], %swap3A_52 {strides = array<i32>} : memref<128xi32, #tpu.memory_space<vmem>>, vector<16xi32>,
      %get3A_53 = arith.index_cast %scan3A_21 : i32 to index
      %get3A_54 = arith.constant 64 : index
      %get3A_55 = tpu.vector_load %arg5[%get3A_53, %get3A_54] {strides = array<i32>} : memref<80x128xi32, #tpu.memory_space<vmem>>, vector<1x16xi32>,
      %get3A_56 = vector.shape_cast %get3A_55 : vector<1x16xi32> to vector<16xi32>
      %swap3A_57 = arith.constant 64 : index
      %swap3A_58 = tpu.vector_load %arg6[%swap3A_57] {strides = array<i32>} : memref<128xi32, #tpu.memory_space<vmem>>, vector<16xi32>,
      %swap3A_59 = vector.shape_cast %swap3A_58 : vector<16xi32> to vector<16xi32>
      %swap3A_60 = vector.shape_cast %get3A_56 : vector<16xi32> to vector<16xi32>
      tpu.vector_store %arg6[%swap3A_57], %swap3A_60 {strides = array<i32>} : memref<128xi32, #tpu.memory_space<vmem>>, vector<16xi32>,
      %get3A_61 = arith.index_cast %scan3A_21 : i32 to index
      %get3A_62 = arith.constant 80 : index
      %get3A_63 = tpu.vector_load %arg5[%get3A_61, %get3A_62] {strides = array<i32>} : memref<80x128xi32, #tpu.memory_space<vmem>>, vector<1x16xi32>,
      %get3A_64 = vector.shape_cast %get3A_63 : vector<1x16xi32> to vector<16xi32>
      %swap3A_65 = arith.constant 80 : index
      %swap3A_66 = tpu.vector_load %arg6[%swap3A_65] {strides = array<i32>} : memref<128xi32, #tpu.memory_space<vmem>>, vector<16xi32>,
      %swap3A_67 = vector.shape_cast %swap3A_66 : vector<16xi32> to vector<16xi32>
      %swap3A_68 = vector.shape_cast %get3A_64 : vector<16xi32> to vector<16xi32>
      tpu.vector_store %arg6[%swap3A_65], %swap3A_68 {strides = array<i32>} : memref<128xi32, #tpu.memory_space<vmem>>, vector<16xi32>,
      %get3A_69 = arith.index_cast %scan3A_21 : i32 to index
      %get3A_70 = arith.constant 96 : index
      %get3A_71 = tpu.vector_load %arg5[%get3A_69, %get3A_70] {strides = array<i32>} : memref<80x128xi32, #tpu.memory_space<vmem>>, vector<1x16xi32>,
      %get3A_72 = vector.shape_cast %get3A_71 : vector<1x16xi32> to vector<16xi32>
      %swap3A_73 = arith.constant 96 : index
      %swap3A_74 = tpu.vector_load %arg6[%swap3A_73] {strides = array<i32>} : memref<128xi32, #tpu.memory_space<vmem>>, vector<16xi32>,
      %swap3A_75 = vector.shape_cast %swap3A_74 : vector<16xi32> to vector<16xi32>
      %swap3A_76 = vector.shape_cast %get3A_72 : vector<16xi32> to vector<16xi32>
      tpu.vector_store %arg6[%swap3A_73], %swap3A_76 {strides = array<i32>} : memref<128xi32, #tpu.memory_space<vmem>>, vector<16xi32>,
      %get3A_77 = arith.index_cast %scan3A_21 : i32 to index
      %get3A_78 = arith.constant 112 : index
      %get3A_79 = tpu.vector_load %arg5[%get3A_77, %get3A_78] {strides = array<i32>} : memref<80x128xi32, #tpu.memory_space<vmem>>, vector<1x16xi32>,
      %get3A_80 = vector.shape_cast %get3A_79 : vector<1x16xi32> to vector<16xi32>
      %swap3A_81 = arith.constant 112 : index
      %swap3A_82 = tpu.vector_load %arg6[%swap3A_81] {strides = array<i32>} : memref<128xi32, #tpu.memory_space<vmem>>, vector<16xi32>,
      %swap3A_83 = vector.shape_cast %swap3A_82 : vector<16xi32> to vector<16xi32>
      %swap3A_84 = vector.shape_cast %get3A_80 : vector<16xi32> to vector<16xi32>
      tpu.vector_store %arg6[%swap3A_81], %swap3A_84 {strides = array<i32>} : memref<128xi32, #tpu.memory_space<vmem>>, vector<16xi32>,
      "tpu.region"() ({
        %run_scoped3A = tpu.sem_alloc : memref<!tpu.dma_semaphore, #tpu.memory_space<semaphore_mem>>
        %dma_start3A = arith.constant 0 : i32
        %dma_start3A_86 = arith.constant 0 : i32
        %dma_start3A_87 = tpu.memref_slice %arg8[%dma_start3A, %dma_start3A_86] : memref<10240x128xf32, #tpu.memory_space<vmem_shared>> -> memref<10240x128xf32, #tpu.memory_space<vmem_shared>>
        tpu.enqueue_indirect_dma source(%arg7 : memref<128x128xf32, #tpu.memory_space<vmem>>) target(%dma_start3A_87 : memref<10240x128xf32, #tpu.memory_space<vmem_shared>>) offsets(%arg6 : memref<128xi32, #tpu.memory_space<vmem>>) semaphore(%run_scoped3A : memref<!tpu.dma_semaphore, #tpu.memory_space<semaphore_mem>>) {add = true}
        %dma_wait3A = arith.constant 0 : i32
        %dma_wait3A_88 = arith.constant 0 : i32
        %dma_wait3A_89 = tpu.memref_slice %arg8[%dma_wait3A, %dma_wait3A_88] : memref<10240x128xf32, #tpu.memory_space<vmem_shared>> -> memref<10240x128xf32, #tpu.memory_space<vmem_shared>>
        tpu.wait_indirect_dma semaphore(%run_scoped3A : memref<!tpu.dma_semaphore, #tpu.memory_space<semaphore_mem>>) src(%arg7 : memref<128x128xf32, #tpu.memory_space<vmem>>) dst(%dma_wait3A_89 : memref<10240x128xf32, #tpu.memory_space<vmem_shared>>)
        tpu.yield
      }) : () -> ()
      %scan3A_85 = arith.constant 0 : i32
      scf.yield %scan3A_85 : i32
    }
    %scan3A_15 = arith.constant 80 : i32
    %barrier3A_16 = arith.constant 0 : index
    tpu.barrier barrier_id(%barrier3A_16)
    %mul3A_17 = arith.constant 640 : i32
    %mul3A_18 = arith.muli %arg1, %mul3A_17 : i32
    %mul3A_19 = arith.constant 640 : i32
    %mul3A_20 = arith.muli %arg1, %mul3A_19 : i32
    "tpu.region"() ({
      %run_scoped3A = tpu.sem_alloc : memref<!tpu.dma_semaphore, #tpu.memory_space<semaphore_mem>>
      %dma_start3A = arith.constant 0 : i32
      %dma_start3A_21 = tpu.memref_slice %arg4[%arg0, %mul3A_20, %dma_start3A] : memref<2x10240x128xf32, #tpu.memory_space<hbm>> -> memref<1x640x128xf32, #tpu.memory_space<hbm>>
      %dma_start3A_22 = tpu.memref_squeeze %dma_start3A_21 : memref<1x640x128xf32, #tpu.memory_space<hbm>> -> memref<640x128xf32, #tpu.memory_space<hbm>>
      %dma_start3A_23 = arith.constant 0 : i32
      %dma_start3A_24 = tpu.memref_slice %arg8[%mul3A_18, %dma_start3A_23] : memref<10240x128xf32, #tpu.memory_space<vmem_shared>> -> memref<640x128xf32, #tpu.memory_space<vmem_shared>>
      tpu.enqueue_dma source(%dma_start3A_24 : memref<640x128xf32, #tpu.memory_space<vmem_shared>>) target(%dma_start3A_22 : memref<640x128xf32, #tpu.memory_space<hbm>>) target_semaphore(%run_scoped3A : memref<!tpu.dma_semaphore, #tpu.memory_space<semaphore_mem>>)
      %dma_wait3A = arith.constant 0 : i32
      %dma_wait3A_25 = tpu.memref_slice %arg4[%arg0, %mul3A_20, %dma_wait3A] : memref<2x10240x128xf32, #tpu.memory_space<hbm>> -> memref<1x640x128xf32, #tpu.memory_space<hbm>>
      %dma_wait3A_26 = tpu.memref_squeeze %dma_wait3A_25 : memref<1x640x128xf32, #tpu.memory_space<hbm>> -> memref<640x128xf32, #tpu.memory_space<hbm>>
      %dma_wait3A_27 = arith.constant 0 : i32
      %dma_wait3A_28 = tpu.memref_slice %arg8[%mul3A_18, %dma_wait3A_27] : memref<10240x128xf32, #tpu.memory_space<vmem_shared>> -> memref<640x128xf32, #tpu.memory_space<vmem_shared>>
      tpu.wait_dma2 semaphore(%run_scoped3A : memref<!tpu.dma_semaphore, #tpu.memory_space<semaphore_mem>>) src(%dma_wait3A_28 : memref<640x128xf32, #tpu.memory_space<vmem_shared>>) dst(%dma_wait3A_26 : memref<640x128xf32, #tpu.memory_space<hbm>>)
      tpu.yield
    }) : () -> ()
    return
  }
}

module attributes {stable_mosaic.version = 14 : i64} {
  func.func @_hs_body(%arg0: memref<10000x128xf32, #tpu.memory_space<vmem>>, %arg1: memref<128x128xf32, #tpu.memory_space<vmem>>, %arg2: memref<2x10000xf32, #tpu.memory_space<vmem>>, %arg3: memref<10000x128xf32, #tpu.memory_space<vmem>>) attributes {dimension_semantics = [], scalar_prefetch = 0 : i64, scratch_operands = 0 : i64, tpu.core_type = #tpu.core_type<tc>} {
    %get3A = arith.constant 0 : index
    %get3A_0 = arith.constant 0 : index
    %get3A_1 = vector.load %arg2[%get3A, %get3A_0] : memref<2x10000xf32, #tpu.memory_space<vmem>>, vector<1x10000xf32>
    %get3A_2 = vector.shape_cast %get3A_1 : vector<1x10000xf32> to vector<10000xf32>
    %get3A_3 = arith.constant 1 : index
    %get3A_4 = arith.constant 0 : index
    %get3A_5 = vector.load %arg2[%get3A_3, %get3A_4] : memref<2x10000xf32, #tpu.memory_space<vmem>>, vector<1x10000xf32>
    %get3A_6 = vector.shape_cast %get3A_5 : vector<1x10000xf32> to vector<10000xf32>
    %add3A = arith.addf %get3A_2, %get3A_6 : vector<10000xf32>
    %add3A_7 = arith.constant 1.000000e+00 : f32
    %add3A_8 = vector.broadcast %add3A_7 : f32 to vector<10000xf32>
    %add3A_9 = arith.addf %add3A, %add3A_8 : vector<10000xf32>
    %rsqrt3A = math.rsqrt %add3A_9 : vector<10000xf32>
    %get3A_10 = arith.constant 0 : index
    %get3A_11 = arith.constant 0 : index
    %get3A_12 = vector.load %arg0[%get3A_10, %get3A_11] : memref<10000x128xf32, #tpu.memory_space<vmem>>, vector<10000x128xf32>
    %get3A_13 = arith.constant 0 : index
    %get3A_14 = arith.constant 0 : index
    %get3A_15 = vector.load %arg1[%get3A_13, %get3A_14] : memref<128x128xf32, #tpu.memory_space<vmem>>, vector<128x128xf32>
    %dot_general3A = arith.constant dense<0.000000e+00> : vector<10000x128xf32>
    %dot_general3A_16 = tpu.matmul %get3A_12, %get3A_15, %dot_general3A {dimension_numbers = #tpu.dot_dimension_numbers<[1], [1], [0], [0], [0, 0, 1, 0], [], []>, transpose_lhs_hint = false} : vector<10000x128xf32>, vector<128x128xf32>, vector<10000x128xf32> -> vector<10000x128xf32>
    %broadcast_in_dim3A = vector.shape_cast %rsqrt3A : vector<10000xf32> to vector<10000x1xf32>
    %mul3A = vector.broadcast %broadcast_in_dim3A : vector<10000x1xf32> to vector<10000x128xf32>
    %mul3A_17 = arith.mulf %dot_general3A_16, %mul3A : vector<10000x128xf32>
    %swap3A = arith.constant 0 : index
    %swap3A_18 = arith.constant 0 : index
    %swap3A_19 = vector.load %arg3[%swap3A, %swap3A_18] : memref<10000x128xf32, #tpu.memory_space<vmem>>, vector<10000x128xf32>
    tpu.vector_store %arg3[%swap3A, %swap3A_18], %mul3A_17 {strides = array<i32>} : memref<10000x128xf32, #tpu.memory_space<vmem>>, vector<10000x128xf32>,
    return
  }
}

module attributes {stable_mosaic.version = 14 : i64} {
  func.func @_bn_body(%arg0: memref<2x10000x128xf32, #tpu.memory_space<vmem>>, %arg1: memref<10000x128xf32, #tpu.memory_space<vmem>>, %arg2: memref<2x10000xf32, #tpu.memory_space<vmem>>, %arg3: memref<1x128xf32, #tpu.memory_space<vmem>>, %arg4: memref<1x128xf32, #tpu.memory_space<vmem>>, %arg5: memref<1x128xf32, #tpu.memory_space<vmem>>, %arg6: memref<10000x128xf32, #tpu.memory_space<vmem>>) attributes {dimension_semantics = [], scalar_prefetch = 0 : i64, scratch_operands = 0 : i64, tpu.core_type = #tpu.core_type<tc>} {
    %get3A = arith.constant 0 : index
    %get3A_0 = arith.constant 0 : index
    %get3A_1 = vector.load %arg2[%get3A, %get3A_0] : memref<2x10000xf32, #tpu.memory_space<vmem>>, vector<1x10000xf32>
    %get3A_2 = vector.shape_cast %get3A_1 : vector<1x10000xf32> to vector<10000xf32>
    %get3A_3 = arith.constant 1 : index
    %get3A_4 = arith.constant 0 : index
    %get3A_5 = vector.load %arg2[%get3A_3, %get3A_4] : memref<2x10000xf32, #tpu.memory_space<vmem>>, vector<1x10000xf32>
    %get3A_6 = vector.shape_cast %get3A_5 : vector<1x10000xf32> to vector<10000xf32>
    %add3A = arith.addf %get3A_2, %get3A_6 : vector<10000xf32>
    %add3A_7 = arith.constant 1.000000e+00 : f32
    %add3A_8 = vector.broadcast %add3A_7 : f32 to vector<10000xf32>
    %add3A_9 = arith.addf %add3A, %add3A_8 : vector<10000xf32>
    %rsqrt3A = math.rsqrt %add3A_9 : vector<10000xf32>
    %get3A_10 = arith.constant 0 : index
    %get3A_11 = arith.constant 0 : index
    %get3A_12 = arith.constant 0 : index
    %get3A_13 = vector.load %arg0[%get3A_10, %get3A_11, %get3A_12] : memref<2x10000x128xf32, #tpu.memory_space<vmem>>, vector<1x10000x128xf32>
    %get3A_14 = vector.shape_cast %get3A_13 : vector<1x10000x128xf32> to vector<10000x128xf32>
    %get3A_15 = arith.constant 1 : index
    %get3A_16 = arith.constant 0 : index
    %get3A_17 = arith.constant 0 : index
    %get3A_18 = vector.load %arg0[%get3A_15, %get3A_16, %get3A_17] : memref<2x10000x128xf32, #tpu.memory_space<vmem>>, vector<1x10000x128xf32>
    %get3A_19 = vector.shape_cast %get3A_18 : vector<1x10000x128xf32> to vector<10000x128xf32>
    %add3A_20 = arith.addf %get3A_14, %get3A_19 : vector<10000x128xf32>
    %get3A_21 = arith.constant 0 : index
    %get3A_22 = arith.constant 0 : index
    %get3A_23 = vector.load %arg1[%get3A_21, %get3A_22] : memref<10000x128xf32, #tpu.memory_space<vmem>>, vector<10000x128xf32>
    %add3A_24 = arith.addf %add3A_20, %get3A_23 : vector<10000x128xf32>
    %broadcast_in_dim3A = vector.shape_cast %rsqrt3A : vector<10000xf32> to vector<10000x1xf32>
    %mul3A = vector.broadcast %broadcast_in_dim3A : vector<10000x1xf32> to vector<10000x128xf32>
    %mul3A_25 = arith.mulf %add3A_24, %mul3A : vector<10000x128xf32>
    %get3A_26 = arith.constant 0 : index
    %get3A_27 = arith.constant 0 : index
    %get3A_28 = vector.load %arg3[%get3A_26, %get3A_27] : memref<1x128xf32, #tpu.memory_space<vmem>>, vector<1x128xf32>
    %get3A_29 = vector.shape_cast %get3A_28 : vector<1x128xf32> to vector<128xf32>
    %broadcast_in_dim3A_30 = vector.shape_cast %get3A_29 : vector<128xf32> to vector<1x128xf32>
    %add3A_31 = vector.broadcast %broadcast_in_dim3A_30 : vector<1x128xf32> to vector<10000x128xf32>
    %add3A_32 = arith.addf %mul3A_25, %add3A_31 : vector<10000x128xf32>
    %max3A = arith.constant 0.000000e+00 : f32
    %max3A_33 = vector.broadcast %max3A : f32 to vector<10000x128xf32>
    %max3A_34 = arith.maximumf %add3A_32, %max3A_33 : vector<10000x128xf32>
    %reduce_sum3A = arith.constant dense<0.000000e+00> : vector<128xf32>
    %reduce_sum3A_35 = vector.multi_reduction <add>, %max3A_34, %reduce_sum3A [0] : vector<10000x128xf32> to vector<128xf32>
    %div3A = arith.constant 1.000000e+04 : f32
    %div3A_36 = vector.broadcast %div3A : f32 to vector<128xf32>
    %div3A_37 = arith.divf %reduce_sum3A_35, %div3A_36 : vector<128xf32>
    %broadcast_in_dim3A_38 = vector.shape_cast %div3A_37 : vector<128xf32> to vector<1x128xf32>
    %sub3A = vector.broadcast %broadcast_in_dim3A_38 : vector<1x128xf32> to vector<10000x128xf32>
    %sub3A_39 = arith.subf %max3A_34, %sub3A : vector<10000x128xf32>
    %mul3A_40 = arith.mulf %sub3A_39, %sub3A_39 : vector<10000x128xf32>
    %reduce_sum3A_41 = arith.constant dense<0.000000e+00> : vector<128xf32>
    %reduce_sum3A_42 = vector.multi_reduction <add>, %mul3A_40, %reduce_sum3A_41 [0] : vector<10000x128xf32> to vector<128xf32>
    %div3A_43 = arith.constant 1.000000e+04 : f32
    %div3A_44 = vector.broadcast %div3A_43 : f32 to vector<128xf32>
    %div3A_45 = arith.divf %reduce_sum3A_42, %div3A_44 : vector<128xf32>
    %get3A_46 = arith.constant 0 : index
    %get3A_47 = arith.constant 0 : index
    %get3A_48 = vector.load %arg4[%get3A_46, %get3A_47] : memref<1x128xf32, #tpu.memory_space<vmem>>, vector<1x128xf32>
    %get3A_49 = vector.shape_cast %get3A_48 : vector<1x128xf32> to vector<128xf32>
    %add3A_50 = arith.constant 9.99999974E-6 : f32
    %add3A_51 = vector.broadcast %add3A_50 : f32 to vector<128xf32>
    %add3A_52 = arith.addf %div3A_45, %add3A_51 : vector<128xf32>
    %rsqrt3A_53 = math.rsqrt %add3A_52 : vector<128xf32>
    %mul3A_54 = arith.mulf %get3A_49, %rsqrt3A_53 : vector<128xf32>
    %broadcast_in_dim3A_55 = vector.shape_cast %mul3A_54 : vector<128xf32> to vector<1x128xf32>
    %mul3A_56 = vector.broadcast %broadcast_in_dim3A_55 : vector<1x128xf32> to vector<10000x128xf32>
    %mul3A_57 = arith.mulf %sub3A_39, %mul3A_56 : vector<10000x128xf32>
    %get3A_58 = arith.constant 0 : index
    %get3A_59 = arith.constant 0 : index
    %get3A_60 = vector.load %arg5[%get3A_58, %get3A_59] : memref<1x128xf32, #tpu.memory_space<vmem>>, vector<1x128xf32>
    %get3A_61 = vector.shape_cast %get3A_60 : vector<1x128xf32> to vector<128xf32>
    %broadcast_in_dim3A_62 = vector.shape_cast %get3A_61 : vector<128xf32> to vector<1x128xf32>
    %add3A_63 = vector.broadcast %broadcast_in_dim3A_62 : vector<1x128xf32> to vector<10000x128xf32>
    %add3A_64 = arith.addf %mul3A_57, %add3A_63 : vector<10000x128xf32>
    %swap3A = arith.constant 0 : index
    %swap3A_65 = arith.constant 0 : index
    %swap3A_66 = vector.load %arg6[%swap3A, %swap3A_65] : memref<10000x128xf32, #tpu.memory_space<vmem>>, vector<10000x128xf32>
    tpu.vector_store %arg6[%swap3A, %swap3A_65], %add3A_64 {strides = array<i32>} : memref<10000x128xf32, #tpu.memory_space<vmem>>, vector<10000x128xf32>,
    return
  }
}

</mosaic_0001>

<sc_bundles>
// kernel: kernel.6.cloned.1.call-start
scs
__scs_entry_jumppad:
0x0: {  	(pc) =	sbr.rel $0x88, $3  }
0x1: {  	(tag) =	ssettag $0x0;
	lr =	simm.s32 $0x1  }
0x2: {  	[smem:$0x3F9B] =	sst lr;
	_ =	strace $0xD0000000  }
0x3: {  	_ = 	snop  }
0x4: {  	_ = 	snop  }
0x5: {  	_ = 	snop  }
0x6: {  	_ = 	snop  }
0x7: {  	_ = 	snop  }
__scs_overlays_trampoline_lowered:
0x8: {  	[smem:$0x3FAA] =	sst s0  }
0x9: {  	[smem:$0x3FAB] =	sst s1  }
0xa: {  	[smem:$0x3FAC] =	sst s2  }
0xb: {  	[smem:$0x3FAD] =	sst s3  }
0xc: {  	[smem:$0x3FAE] =	sst s4  }
0xd: {  	[smem:$0x3FAF] =	sst s5  }
0xe: {  	[smem:$0x3FB0] =	sst s6  }
0xf: {  	[smem:$0x3FB1] =	sst s7  }
0x10: {  	[smem:$0x3FB2] =	sst s8  }
0x11: {  	[smem:$0x3FB3] =	sst s9;
	s0 =	simm.s32 @!p0 $0x0  }
0x12: {  	s1 =	sld [smem:$0x3F99];
	s0 =	simm.s32 @p0 $0x1  }
0x13: {  	[smem:$0x3FB4] =	sst s0;
	s0 =	simm.s32 @!p1 $0x0  }
0x14: {  	s2 =	sld [smem:$0x3F98];
	s0 =	simm.s32 @p1 $0x1  }
0x15: {  	[smem:$0x3FB5] =	sst s0;
	s0 =	simm.s32 @!p2 $0x0  }
0x16: {  	s3 =	sld [smem:$0x3FDB];
	s0 =	simm.s32 @p2 $0x1  }
0x17: {  	s4 =	simm.s32 $0x1BF5;
	[smem:$0x3FB7] =	sst s0  }
0x18: {  	s0 =	sld [smem:$0x3F9A];
	_ =	swait.ge [sflag:s4], $0x0  }
0x19: {  	s7 =	sld [smem:$0x3F9B]  }
0x1a: {  	s8 =	sadd.s32 $0xFFFFE003, lr  }
0x1b: {  	s9 =	sadd.s32 $0xFFFFFEF7, lr;
	s5 =	simm.s32 $0xFFFFFFFF;
	p2 =	slt.u32 s8, $0xFFFFF086  }
0x1c: {  	p1 =	slt.u32 s9, $0xF7A;
	s5 =	simm.s32 @!p2 $0x0  }
0x1d: {  	s5 =	simm.s32 @p1 $0x1;
	p0 =	seq.s32 s7, s2  }
0x1e: {  	s7 =	smul.u32 @!p0 $0xF7A, s2;
	p2 =	seq.s32 @!p0 s5, $0x0  }
0x1f: {  	s9 =	smul.u32 $0xF7A, s1;
	s8 =	simm.s32 @!p0 $0x1BF5;
	p2 =	por !p2, p0  }
0x20: {  	[sflag:s8] =	ssyncset.s32 @!p0 $0xFFFFF086;
	s6 =	sadd.s32 @!p0 s3, s7;
	s7 =	simm.s32 @!p0 $0x108  }
0x21: {  	s3 =	sadd.s32 s3, s9;
	s6 =	sadd.s32 @!p0 $0x88, s6;
	s7 =	simm.s32 @p2 $0x1082  }
0x22: {  	[simem:s7], [sflag:s8] =	dma.local @!p0 [hbm:s6], $0xF7A  }
0x23: {  	s9 =	sor.u32 $0xD0000000, s2;
	s6 =	simm.s32 $0x108;
	_ =	swait.ge @!p0 [sflag:s8], $0x0  }
0x24: {  	s3 =	sadd.s32 $0x88, s3;
	s6 =	simm.s32 @!p1 $0x1082;
	[sflag:s4] =	ssyncset.s32 $0xFFFFF086  }
0x25: {  	[simem:s6], [sflag:s4] =	dma.local [hbm:s3], $0xF7A  }
0x26: {  	[smem:$0x3F9B] =	sst s1;
	(tag) =	ssettag s2;
	_ =	strace s9  }
0x27: {  	s1 =	sld [smem:$0x3FAB]  }
0x28: {  	s2 =	sld [smem:$0x3FAC]  }
0x29: {  	s4 =	sld [smem:$0x3FAE]  }
0x2a: {  	p0 =	seq.s32 s5, $0x0;
	s5 =	sld [smem:$0x3FAF]  }
0x2b: {  	s6 =	sld [smem:$0x3FB0]  }
0x2c: {  	s7 =	sld [smem:$0x3FB1]  }
0x2d: {  	s3 =	simm.s32 $0x108;
	s8 =	sld [smem:$0x3FB2]  }
0x2e: {  	s3 =	simm.s32 @!p0 $0x1082;
	s9 =	sld [smem:$0x3FB3]  }
0x2f: {  	lr =	sadd.s32 s0, s3;
	s0 =	sld [smem:$0x3FAA]  }
0x30: {  	s3 =	sld [smem:$0x3FAD]  }
0x31: {  	[smem:$0x3FB6] =	sst s10  }
0x32: {  	s10 =	sld [smem:$0x3FB4];
	_ =	sdelay $0x3  }
0x33: {  	p0 =	seq.s32 s10, $0x1;
	s10 =	sld [smem:$0x3FB6];
	_ =	sdelay $0x3  }
0x34: {  	[smem:$0x3FB6] =	sst s10  }
0x35: {  	s10 =	sld [smem:$0x3FB5];
	_ =	sdelay $0x3  }
0x36: {  	p1 =	seq.s32 s10, $0x1;
	s10 =	sld [smem:$0x3FB6];
	_ =	sdelay $0x3  }
0x37: {  	[smem:$0x3FB6] =	sst s10  }
0x38: {  	s10 =	sld [smem:$0x3FB7]  }
0x39: {  	_ = 	snop;
	(pc) =	sbr.ind lr, $3  }
0x3a: {  	_ = 	snop  }
0x3b: {  	_ = 	snop  }
0x3c: {  	p2 =	seq.s32 s10, $0x1;
	s10 =	sld [smem:$0x3FB6]  }
0x3d: {  	_ =	shalt  }
0x3e: {  	_ =	shalt  }
0x3f: {  	_ =	shalt  }
0x40: {  	_ =	shalt  }
0x41: {  	_ =	shalt  }
0x42: {  	_ =	shalt  }
0x43: {  	_ =	shalt  }
0x44: {  	_ =	shalt  }
0x45: {  	_ =	shalt  }
0x46: {  	_ =	shalt  }
0x47: {  	_ =	shalt  }
0x48: {  	_ =	shalt  }
0x49: {  	_ =	shalt  }
0x4a: {  	_ =	shalt  }
0x4b: {  	_ =	shalt  }
0x4c: {  	_ =	shalt  }
0x4d: {  	_ =	shalt  }
0x4e: {  	_ =	shalt  }
0x4f: {  	_ =	shalt  }
0x50: {  	_ =	shalt  }
0x51: {  	_ =	shalt  }
0x52: {  	_ =	shalt  }
0x53: {  	_ =	shalt  }
0x54: {  	_ =	shalt  }
0x55: {  	_ =	shalt  }
0x56: {  	_ =	shalt  }
0x57: {  	_ =	shalt  }
0x58: {  	_ =	shalt  }
0x59: {  	_ =	shalt  }
0x5a: {  	_ =	shalt  }
0x5b: {  	_ =	shalt  }
0x5c: {  	_ =	shalt  }
0x5d: {  	_ =	shalt  }
0x5e: {  	_ =	shalt  }
0x5f: {  	_ =	shalt  }
0x60: {  	_ =	shalt  }
0x61: {  	_ =	shalt  }
0x62: {  	_ =	shalt  }
0x63: {  	_ =	shalt  }
0x64: {  	_ =	shalt  }
0x65: {  	_ =	shalt  }
0x66: {  	_ =	shalt  }
0x67: {  	_ =	shalt  }
0x68: {  	_ =	shalt  }
0x69: {  	_ =	shalt  }
0x6a: {  	_ =	shalt  }
0x6b: {  	_ =	shalt  }
0x6c: {  	_ =	shalt  }
0x6d: {  	_ =	shalt  }
0x6e: {  	_ =	shalt  }
0x6f: {  	_ =	shalt  }
0x70: {  	_ =	shalt  }
0x71: {  	_ =	shalt  }
0x72: {  	_ =	shalt  }
0x73: {  	_ =	shalt  }
0x74: {  	_ =	shalt  }
0x75: {  	_ =	shalt  }
0x76: {  	_ =	shalt  }
0x77: {  	_ =	shalt  }
0x78: {  	_ =	shalt  }
0x79: {  	_ =	shalt  }
0x7a: {  	_ =	shalt  }
0x7b: {  	_ =	shalt  }
0x7c: {  	_ =	shalt  }
0x7d: {  	_ =	shalt  }
0x7e: {  	_ =	shalt  }
0x7f: {  	_ =	shalt  }
0x80: {  	_ =	shalt  }
0x81: {  	_ =	shalt  }
0x82: {  	_ =	shalt  }
0x83: {  	_ =	shalt  }
0x84: {  	_ =	shalt  }
0x85: {  	_ =	shalt  }
0x86: {  	_ =	shalt  }
0x87: {  	_ =	shalt  }
.Lfunc_end0:
.L_simem_size_0:
called_computation_lowered:
.L_overlay_start_0:
0x88: {  	s2 =	sld [smem:$0x3FD9]  }
0x89: {  	s3 =	sld [smem:$0x3FFE];
	_ =	sdelay $0x1  }
0x8a: {  	s1 =	srdreg.scid  }
0x8b: {  	s0 =	sand.u32 $0x1, s1  }
0x8c: {  	s16 =	sshll.u32 s0, $0xA;
	s2 =	sadd.s32 s3, s2  }
0x8d: {  	s2 =	sadd.s32 s2, s16  }
0x8e: {  	[smem:$0x3FC2] =	sst s2  }
0x8f: {  	_ = 	snop  }
0x90: {  	(tm) =	ssettm $0x1  }
0x91: {  	s17 =	sld [smem:$0x3FFB];
	_ =	sdelay $0x3  }
0x92: {  	_ =	strace s17  }
0x93: {  	s2 =	sld [smem:$0x3FFC];
	_ =	sdelay $0x3  }
0x94: {  	_ =	strace s2  }
0x95: {  	s2 =	sld [smem:$0x3FFD];
	_ =	sdelay $0x3  }
0x96: {  	_ =	strace s2  }
0x97: {  	_ =	strace $0x8FFFFFFF  }
0x98: {  	s18 =	sld [smem:$0x3FDB];
	_ =	sdelay $0x1  }
0x99: {  	s19 =	simm.s32 $_scs_section_size  }
0x9a: {  	s4 =	simm.s32 $_size__tile_overlayer_lowered;
	s5 =	simm.s32 $_tile_overlayer_lowered  }
0x9b: {  	s22 =	simm.s32 $0x1BFF;
	s21 =	sshll.u32 s5, $0x1;
	s2 =	sadd.s32 s19, s18  }
0x9c: {  	s6 =	simm.s32 $0x0;
	s20 =	sshll.u32 s4, $0x1;
	s4 =	sadd.s32 s21, s2  }
0x9d: {  	[timem:s6], [sflag:s22] =	dma.local [hbm:s4], s20  }
0x9e: {  	_ =	swait.ge [sflag:s22], s20  }
0x9f: {  	s3 =	ssub.s32 $0x0, s20;
	[sflag:s22] =	ssyncset.done $0x0  }
0xa0: {  	[sflag:s22] =	ssyncadd.s32 s3;
	_ =	sdelay $0x1  }
0xa1: {  	s23 =	simm.s32 $0x1B8B  }
0xa2: {  	_ =	swait.ge [sflag:s23], $0x1  }
0xa3: {  	[sflag:s23] =	ssyncset.done $0x0  }
0xa4: {  	s25 =	simm.s32 $0x1B8E;
	s24 =	sld [smem:$0x3FFE];
	[sflag:s23] =	ssyncadd.s32 $0xFFFFFFFF  }
0xa5: {  	s26 =	simm.s32 $execute0_lowered;
	[smem:$0x3FD2] =	sst s25  }
0xa6: {  	s4 =	sshll.u32 s26, $0x1;
	_ =	strace $0x80000046;
	[dreg:$0x1] =	wrdreg $0xFFFFFFFF  }
0xa7: {  	s28 =	simm.s32 $_size_execute0_lowered;
	s2 =	sadd.s32 s2, s4;
	[dreg:$0x0] =	wrdreg $0x0  }
0xa8: {  	s4 =	sshll.u32 s28, $0x1;
	[dreg:$0x2] =	wrdreg s2  }
0xa9: {  	[dreg:$0x3] =	wrdreg s4  }
0xaa: {  	[dreg:$0x4] =	wrdreg $0xC0  }
0xab: {  	_ =	task [dreg:s6], $0x5FFFF  }
0xac: {  	[dreg:$0x1] =	wrdreg $0xFFFFFFFF  }
0xad: {  	[dreg:$0x0] =	wrdreg $0x60  }
0xae: {  	[dreg:$0x2] =	wrdreg s24  }
0xaf: {  	[dreg:$0x3] =	wrdreg $0x68800  }
0xb0: {  	[dreg:$0x4] =	wrdreg $0x9  }
0xb1: {  	_ =	task.clear_ibuf [dreg:s6], $0x5FFFF;
	_ =	strace $0x90000046  }
0xb2: {  	s29 =	simm.s32 $0x9;
	_ =	strace $0x80000048  }
0xb3: {  	_ =	swait.ge [sflag:s29], $0x1  }
0xb4: {  	[sflag:s29] =	ssyncadd.s32 $0xFFFFFFFF  }
0xb5: {  	_ =	strace $0x90000048  }
0xb6: {  	_ =	sfence  }
0xb7: {  	s30 =	sld [smem:$0x0];
	_ =	sdelay $0x2  }
0xb8: {  	s31 =	sshll.u32 s1, $0xD;
	s1 =	sshrl.u32 s1, $0x2  }
0xb9: {  	s3 =	sand.u32 $0x4000, s31;
	s1 =	sadd.s32 s1, s30  }
0xba: {  	s0 =	sor.u32 s3, s0;
	s1 =	sshll.u32 s1, $0x11  }
0xbb: {  	s0 =	sor.u32 s1, s0  }
0xbc: {  	s0 =	sadd.s32 $0x8F2B, s0  }
0xbd: {  	[sflag:s0] =	ssyncadd.remote.s32 $0x1  }
0xbe: {  	_ =	sfence.sel $0xFFFF  }
0xbf: {  	[dreg:$0x0] =	wrdreg $0xFFFFFFFF;
	(pc) =	sbr.abs _section_cstart, $3  }
0xc0: {  	[dreg:$0x1] =	wrdreg $0xFFFFFFFF  }
0xc1: {  	_ =	task.clear_ibuf [dreg:s6], $0x2FFFF;
	_ =	strace $0x9FFFFFFF  }
0xc2: {  	(tm) =	ssettm $0x7FFFFFFF  }
0xc3: {  	_ =	shalt  }
tec
execute0_lowered:
.L_overlay_start_1:
0x0: {  	(tag) =	ssettag $0x1  }
0x1: {  	s0 =	srdreg.scid;
	s6 =	rddreg [dreg:$0x0]  }
0x2: {  	s2 =	rddreg [dreg:$0x1];
	s3 =	simm.s32 $0x0;
	s5 =	sand.u32 $0x1, s0  }
0x3: {  	s12 =	simm.s32 $0x2800;
	s0 =	stileid.u32;
	s7 =	smul.u32 $0x140000, s5  }
0x4: {  	s13 =	simm.s32 $0x2880;
	[smem:$0x7FF] =	sst s3;
	s8 =	smul.u32 $0x14000, s0  }
0x5: {  	s1 =	sshll.u32 s5, $0x4;
	s29 =	smul.u32 $0x50000, s0;
	s5 =	ssub.s32 $0x2, s5  }
0x6: {  	s31 =	sshll.u32 s0, $0x6;
	s1 =	sor.u32 s0, s1;
	s30 =	sshrl.u32 s5, $0x1  }
0x7: {  	s4 =	smul.u32 $0x500, s1;
	s1 =	rddreg [dreg:$0x2];
	_ =	strace $0x80000047  }
0x8: {  	s7 =	sadd.s32 s8, s7;
	s8 =	sshrl.u32 s29, $0x2;
	s10 =	ssub.s32 s5, s30  }
0x9: {  	s5 =	sor.u32 $0x1C01, s31;
	s7 =	sshrl.u32 s7, $0x3;
	s11 =	sadd.s32 s8, s2  }
0xa: {  	s8 =	smax.u32 s10, $0x1;
	s10 =	simm.s32 $0x1;
	s9 =	sadd.s32 s4, s6  }
0xb: {  	s4 =	sadd.s32 $0xB400, s6;
	s7 =	sadd.s32 s7, s6;
	s6 =	sadd.s32 $0x1400, s9  }
0xc: {  	v0 =	vimm.f32 $1.000000000e+00;
	s7 =	sadd.s32 $0xDC00, s7;
	s9 =	sshrl.u32 s11, $0x3;
	s11 =	simm.s32 $0x80  }
.LBB2_1:
0xd: {  	[spmem:s9], [sflag:s5] =	dma.local [hbm:s4], $0x2800  }
0xe: {  	_ =	swait.ge [sflag:s10], $0x2800  }
0xf: {  	[sflag:s10] =	ssyncset.done $0x0  }
0x10: {  	s14 =	simm.s32 $0x0;
	s15 =	simm.s32 $0x200;
	[sflag:s10] =	ssyncadd.s32 $0xFFFFD800  }
.LBB2_2:
0x11: {  	p0 =	sne.s32 s15, $0xFE00;
	[tilespmem:s14+$0x28F0] =	vst v0  }
0x12: {  	[tilespmem:s14+$0x2880] =	vst v0  }
0x13: {  	[tilespmem:s14+$0x2890] =	vst v0  }
.Ltmp0:
0x14: {  	[tilespmem:s14+$0x28A0] =	vst v0;
	(pc) =	sbr.rel @p0 .LBB2_2-.Ltmp0, $4  }
0x15: {  	[tilespmem:s14+$0x28B0] =	vst v0  }
0x16: {  	[tilespmem:s14+$0x28C0] =	vst v0  }
0x17: {  	[tilespmem:s14+$0x28D0] =	vst v0  }
0x18: {  	[tilespmem:s14+$0x28E0] =	vst v0;
	s14 =	sshra.s32 s15, $0x2;
	s15 =	sadd.s32 $0x200, s15  }
0x19: {  	[tilespmem:s14+$0x28F0] =	vst v0  }
0x1a: {  	[tilespmem:s14+$0x2880] =	vst v0  }
0x1b: {  	[tilespmem:s14+$0x2890] =	vst v0  }
0x1c: {  	[tilespmem:s14+$0x28A0] =	vst v0  }
0x1d: {  	[tilespmem:s14+$0x28B0] =	vst v0  }
0x1e: {  	[tilespmem:s14+$0x28C0] =	vst v0  }
0x1f: {  	[tilespmem:s14+$0x28D0] =	vst v0  }
0x20: {  	[tilespmem:s14+$0x28E0] =	vst v0  }
0x21: {  	s30 =	simm.s32 $0x0;
	[bflag:$0x0] =	sbarrier.arrive $0xFFFF  }
0x22: {  	[tilespmem:s30], [sflag:$0x1] =	stream.linear.gather [hbm4b:s6+s30], $0x2800, $0x38;
	[tilespmem:$0x1A880] =	vst v63  }
0x23: {  	_ =	swait.ge [sflag:s10], $0x2800  }
0x24: {  	[sflag:s10] =	ssyncset.done $0x0  }
0x25: {  	s31 =	simm.s32 $0x0;
	[sflag:s10] =	ssyncadd.s32 $0xFFFFD800  }
0x26: {  	v1 =	vld [tilespmem:s31+$0x0];
	_ =	sdelay $0x4  }
0x27: {  	[tilespmem:$0x2800] =	vst v1  }
0x28: {  	v1 =	vld [tilespmem:s31+$0x10];
	_ =	sdelay $0x4  }
0x29: {  	[tilespmem:$0x2810] =	vst v1  }
0x2a: {  	v1 =	vld [tilespmem:s31+$0x20];
	_ =	sdelay $0x4  }
0x2b: {  	[tilespmem:$0x2820] =	vst v1  }
0x2c: {  	v1 =	vld [tilespmem:s31+$0x30];
	_ =	sdelay $0x4  }
0x2d: {  	[tilespmem:$0x2830] =	vst v1  }
0x2e: {  	v1 =	vld [tilespmem:s31+$0x40];
	_ =	sdelay $0x4  }
0x2f: {  	[tilespmem:$0x2840] =	vst v1  }
0x30: {  	v1 =	vld [tilespmem:s31+$0x50];
	_ =	sdelay $0x4  }
0x31: {  	[tilespmem:$0x2850] =	vst v1  }
0x32: {  	v1 =	vld [tilespmem:s31+$0x60];
	_ =	sdelay $0x4  }
0x33: {  	[tilespmem:$0x2860] =	vst v1  }
0x34: {  	v1 =	vld [tilespmem:s31+$0x70];
	_ =	sdelay $0x4  }
0x35: {  	[tilespmem:$0x2870] =	vst v1  }
0x36: {  	[spmem:s2] =	stream.indirect.scatter.add.f32 [tilespmem:s13], [sflag:$0x1], $0x80, s12, s11, $0xb8;
	[tilespmem:$0x1A880] =	vst v63  }
0x37: {  	_ =	swait.ge [sflag:s10], $0x4000  }
0x38: {  	s14 =	simm.s32 $0x200;
	s16 =	simm.s32 $0x400;
	[sflag:s10] =	ssyncset.done $0x0  }
.LBB2_4:
0x39: {  	s17 =	sshra.s32 s14, $0x2  }
0x3a: {  	[sflag:s10] =	ssyncadd.s32 $0xFFFFC000;
	s14 =	smov.u32 s16;
	s15 =	sadd.s32 $0x200, s16  }
0x3b: {  	p0 =	sne.s32 s16, $0x9E00;
	v1 =	vld [tilespmem:s17+$0x0];
	_ =	sdelay $0x4  }
0x3c: {  	[tilespmem:$0x2800] =	vst v1  }
0x3d: {  	v1 =	vld [tilespmem:s17+$0x10];
	_ =	sdelay $0x4  }
0x3e: {  	[tilespmem:$0x2810] =	vst v1  }
0x3f: {  	v1 =	vld [tilespmem:s17+$0x20];
	_ =	sdelay $0x4  }
0x40: {  	[tilespmem:$0x2820] =	vst v1  }
0x41: {  	v1 =	vld [tilespmem:s17+$0x30];
	_ =	sdelay $0x4  }
0x42: {  	[tilespmem:$0x2830] =	vst v1  }
0x43: {  	v1 =	vld [tilespmem:s17+$0x40];
	_ =	sdelay $0x4  }
0x44: {  	[tilespmem:$0x2840] =	vst v1  }
0x45: {  	v1 =	vld [tilespmem:s17+$0x50];
	_ =	sdelay $0x4  }
0x46: {  	[tilespmem:$0x2850] =	vst v1  }
0x47: {  	v1 =	vld [tilespmem:s17+$0x60];
	_ =	sdelay $0x4  }
0x48: {  	[tilespmem:$0x2860] =	vst v1  }
0x49: {  	v1 =	vld [tilespmem:s17+$0x70];
	_ =	sdelay $0x3  }
.Ltmp1:
0x4a: {  	(pc) =	sbr.rel @p0 .LBB2_4-.Ltmp1, $4  }
0x4b: {  	[tilespmem:$0x2870] =	vst v1  }
0x4c: {  	[spmem:s2] =	stream.indirect.scatter.add.f32 [tilespmem:s13], [sflag:$0x1], $0x80, s12, s11, $0xb8;
	[tilespmem:$0x1A880] =	vst v63  }
0x4d: {  	_ =	swait.ge [sflag:s10], $0x4000  }
0x4e: {  	s16 =	smov.u32 s15;
	[sflag:s10] =	ssyncset.done $0x0  }
0x4f: {  	s14 =	sshra.s32 s14, $0x2;
	[sflag:s10] =	ssyncadd.s32 $0xFFFFC000  }
0x50: {  	v1 =	vld [tilespmem:s14+$0x0];
	_ =	sdelay $0x4  }
0x51: {  	[tilespmem:$0x2800] =	vst v1  }
0x52: {  	v1 =	vld [tilespmem:s14+$0x10];
	_ =	sdelay $0x4  }
0x53: {  	[tilespmem:$0x2810] =	vst v1  }
0x54: {  	v1 =	vld [tilespmem:s14+$0x20];
	_ =	sdelay $0x4  }
0x55: {  	[tilespmem:$0x2820] =	vst v1  }
0x56: {  	v1 =	vld [tilespmem:s14+$0x30];
	_ =	sdelay $0x4  }
0x57: {  	[tilespmem:$0x2830] =	vst v1  }
0x58: {  	v1 =	vld [tilespmem:s14+$0x40];
	_ =	sdelay $0x4  }
0x59: {  	[tilespmem:$0x2840] =	vst v1  }
0x5a: {  	v1 =	vld [tilespmem:s14+$0x50];
	_ =	sdelay $0x4  }
0x5b: {  	[tilespmem:$0x2850] =	vst v1  }
0x5c: {  	v1 =	vld [tilespmem:s14+$0x60];
	_ =	sdelay $0x4  }
0x5d: {  	[tilespmem:$0x2860] =	vst v1  }
0x5e: {  	v1 =	vld [tilespmem:s14+$0x70];
	_ =	sdelay $0x4  }
0x5f: {  	[tilespmem:$0x2870] =	vst v1  }
0x60: {  	[spmem:s2] =	stream.indirect.scatter.add.f32 [tilespmem:s13], [sflag:$0x1], $0x80, s12, s11, $0xb8;
	[tilespmem:$0x1A880] =	vst v63  }
0x61: {  	_ =	swait.ge [sflag:s10], $0x4000  }
0x62: {  	s3 =	sadd.s32 $0x1, s3;
	[sflag:s10] =	ssyncset.done $0x0  }
0x63: {  	p0 =	sne.s32 s3, s8;
	[sflag:s10] =	ssyncadd.s32 $0xFFFFC000  }
.Ltmp2:
0x64: {  	[bflag:$0x0] =	sbarrier.arrive $0xFFFF;
	(pc) =	sbr.rel @p0 .LBB2_1-.Ltmp2, $4  }
0x65: {  	[hbm:s7], [sflag:s5] =	dma.local [spmem:s9], $0x2800  }
0x66: {  	_ =	swait.ge [sflag:s10], $0x2800  }
0x67: {  	[sflag:s10] =	ssyncset.done $0x0  }
0x68: {  	[sflag:s10] =	ssyncadd.s32 $0xFFFFD800  }
0x69: {  	_ =	sfence.sel $0x180000  }
0x6a: {  	[bflag:$0x0] =	sbarrier.arrive $0xFFFF  }
0x6b: {  	p0 =	sne.s32 s0, $0x0;
	_ =	strace $0x90000047  }
0x6c: {  	s0 =	sadd.s32 @!p0 $0x100000, s1;
	[bflag:$0x2] =	sbarrier.arrive $0xFFFF  }
0x6d: {  	[sflag:s0] =	ssyncadd.tile.s32 @!p0 $0x1;
	_ =	shalt  }
.Lfunc_end2:
_tile_overlayer_lowered:
.L_overlay_start_2:
0x6e: {  	(tag) =	ssettag $0x2  }
0x6f: {  	s0 =	rddreg [dreg:$0x0];
	s2 =	stileid.u32  }
0x70: {  	s1 =	rddreg [dreg:$0x1];
	p0 =	sne.s32 s2, $0x0  }
0x71: {  	s3 =	rddreg [dreg:$0x2];
	[bflag:$0x3] =	sbarrier.arrive $0xFFFF;
	s2 =	simm.s32 @!p0 $0x1C01  }
0x72: {  	[timem:s3], [sflag:s2] =	dma.local @!p0 [hbm:s0], s1  }
0x73: {  	s0 =	simm.s32 @!p0 $0x1  }
0x74: {  	_ =	swait.ge @!p0 [sflag:s0], s1  }
0x75: {  	s1 =	ssub.s32 @!p0 $0x0, s1;
	[sflag:s0] =	ssyncset.done @!p0 $0x0  }
0x76: {  	[sflag:s0] =	ssyncadd.s32 @!p0 s1  }
0x77: {  	[bflag:$0x3] =	sbarrier.arrive $0xFFFF  }
0x78: {  	_ =	shalt  }

// kernel: kernel.9.cloned.1.call-start
scs
__scs_entry_jumppad:
0x0: {  	(pc) =	sbr.rel $0x88, $3  }
0x1: {  	(tag) =	ssettag $0x0;
	lr =	simm.s32 $0x1  }
0x2: {  	[smem:$0x3F9B] =	sst lr;
	_ =	strace $0xD0000000  }
0x3: {  	_ = 	snop  }
0x4: {  	_ = 	snop  }
0x5: {  	_ = 	snop  }
0x6: {  	_ = 	snop  }
0x7: {  	_ = 	snop  }
__scs_overlays_trampoline_lowered:
0x8: {  	[smem:$0x3FAA] =	sst s0  }
0x9: {  	[smem:$0x3FAB] =	sst s1  }
0xa: {  	[smem:$0x3FAC] =	sst s2  }
0xb: {  	[smem:$0x3FAD] =	sst s3  }
0xc: {  	[smem:$0x3FAE] =	sst s4  }
0xd: {  	[smem:$0x3FAF] =	sst s5  }
0xe: {  	[smem:$0x3FB0] =	sst s6  }
0xf: {  	[smem:$0x3FB1] =	sst s7  }
0x10: {  	[smem:$0x3FB2] =	sst s8  }
0x11: {  	[smem:$0x3FB3] =	sst s9;
	s0 =	simm.s32 @!p0 $0x0  }
0x12: {  	s1 =	sld [smem:$0x3F99];
	s0 =	simm.s32 @p0 $0x1  }
0x13: {  	[smem:$0x3FB4] =	sst s0;
	s0 =	simm.s32 @!p1 $0x0  }
0x14: {  	s2 =	sld [smem:$0x3F98];
	s0 =	simm.s32 @p1 $0x1  }
0x15: {  	[smem:$0x3FB5] =	sst s0;
	s0 =	simm.s32 @!p2 $0x0  }
0x16: {  	s3 =	sld [smem:$0x3FDB];
	s0 =	simm.s32 @p2 $0x1  }
0x17: {  	s4 =	simm.s32 $0x1BF5;
	[smem:$0x3FB7] =	sst s0  }
0x18: {  	s0 =	sld [smem:$0x3F9A];
	_ =	swait.ge [sflag:s4], $0x0  }
0x19: {  	s7 =	sld [smem:$0x3F9B]  }
0x1a: {  	s8 =	sadd.s32 $0xFFFFE003, lr  }
0x1b: {  	s9 =	sadd.s32 $0xFFFFFEF7, lr;
	s5 =	simm.s32 $0xFFFFFFFF;
	p2 =	slt.u32 s8, $0xFFFFF086  }
0x1c: {  	p1 =	slt.u32 s9, $0xF7A;
	s5 =	simm.s32 @!p2 $0x0  }
0x1d: {  	s5 =	simm.s32 @p1 $0x1;
	p0 =	seq.s32 s7, s2  }
0x1e: {  	s7 =	smul.u32 @!p0 $0xF7A, s2;
	p2 =	seq.s32 @!p0 s5, $0x0  }
0x1f: {  	s9 =	smul.u32 $0xF7A, s1;
	s8 =	simm.s32 @!p0 $0x1BF5;
	p2 =	por !p2, p0  }
0x20: {  	[sflag:s8] =	ssyncset.s32 @!p0 $0xFFFFF086;
	s6 =	sadd.s32 @!p0 s3, s7;
	s7 =	simm.s32 @!p0 $0x108  }
0x21: {  	s3 =	sadd.s32 s3, s9;
	s6 =	sadd.s32 @!p0 $0x88, s6;
	s7 =	simm.s32 @p2 $0x1082  }
0x22: {  	[simem:s7], [sflag:s8] =	dma.local @!p0 [hbm:s6], $0xF7A  }
0x23: {  	s9 =	sor.u32 $0xD0000000, s2;
	s6 =	simm.s32 $0x108;
	_ =	swait.ge @!p0 [sflag:s8], $0x0  }
0x24: {  	s3 =	sadd.s32 $0x88, s3;
	s6 =	simm.s32 @!p1 $0x1082;
	[sflag:s4] =	ssyncset.s32 $0xFFFFF086  }
0x25: {  	[simem:s6], [sflag:s4] =	dma.local [hbm:s3], $0xF7A  }
0x26: {  	[smem:$0x3F9B] =	sst s1;
	(tag) =	ssettag s2;
	_ =	strace s9  }
0x27: {  	s1 =	sld [smem:$0x3FAB]  }
0x28: {  	s2 =	sld [smem:$0x3FAC]  }
0x29: {  	s4 =	sld [smem:$0x3FAE]  }
0x2a: {  	p0 =	seq.s32 s5, $0x0;
	s5 =	sld [smem:$0x3FAF]  }
0x2b: {  	s6 =	sld [smem:$0x3FB0]  }
0x2c: {  	s7 =	sld [smem:$0x3FB1]  }
0x2d: {  	s3 =	simm.s32 $0x108;
	s8 =	sld [smem:$0x3FB2]  }
0x2e: {  	s3 =	simm.s32 @!p0 $0x1082;
	s9 =	sld [smem:$0x3FB3]  }
0x2f: {  	lr =	sadd.s32 s0, s3;
	s0 =	sld [smem:$0x3FAA]  }
0x30: {  	s3 =	sld [smem:$0x3FAD]  }
0x31: {  	[smem:$0x3FB6] =	sst s10  }
0x32: {  	s10 =	sld [smem:$0x3FB4];
	_ =	sdelay $0x3  }
0x33: {  	p0 =	seq.s32 s10, $0x1;
	s10 =	sld [smem:$0x3FB6];
	_ =	sdelay $0x3  }
0x34: {  	[smem:$0x3FB6] =	sst s10  }
0x35: {  	s10 =	sld [smem:$0x3FB5];
	_ =	sdelay $0x3  }
0x36: {  	p1 =	seq.s32 s10, $0x1;
	s10 =	sld [smem:$0x3FB6];
	_ =	sdelay $0x3  }
0x37: {  	[smem:$0x3FB6] =	sst s10  }
0x38: {  	s10 =	sld [smem:$0x3FB7]  }
0x39: {  	_ = 	snop;
	(pc) =	sbr.ind lr, $3  }
0x3a: {  	_ = 	snop  }
0x3b: {  	_ = 	snop  }
0x3c: {  	p2 =	seq.s32 s10, $0x1;
	s10 =	sld [smem:$0x3FB6]  }
0x3d: {  	_ =	shalt  }
0x3e: {  	_ =	shalt  }
0x3f: {  	_ =	shalt  }
0x40: {  	_ =	shalt  }
0x41: {  	_ =	shalt  }
0x42: {  	_ =	shalt  }
0x43: {  	_ =	shalt  }
0x44: {  	_ =	shalt  }
0x45: {  	_ =	shalt  }
0x46: {  	_ =	shalt  }
0x47: {  	_ =	shalt  }
0x48: {  	_ =	shalt  }
0x49: {  	_ =	shalt  }
0x4a: {  	_ =	shalt  }
0x4b: {  	_ =	shalt  }
0x4c: {  	_ =	shalt  }
0x4d: {  	_ =	shalt  }
0x4e: {  	_ =	shalt  }
0x4f: {  	_ =	shalt  }
0x50: {  	_ =	shalt  }
0x51: {  	_ =	shalt  }
0x52: {  	_ =	shalt  }
0x53: {  	_ =	shalt  }
0x54: {  	_ =	shalt  }
0x55: {  	_ =	shalt  }
0x56: {  	_ =	shalt  }
0x57: {  	_ =	shalt  }
0x58: {  	_ =	shalt  }
0x59: {  	_ =	shalt  }
0x5a: {  	_ =	shalt  }
0x5b: {  	_ =	shalt  }
0x5c: {  	_ =	shalt  }
0x5d: {  	_ =	shalt  }
0x5e: {  	_ =	shalt  }
0x5f: {  	_ =	shalt  }
0x60: {  	_ =	shalt  }
0x61: {  	_ =	shalt  }
0x62: {  	_ =	shalt  }
0x63: {  	_ =	shalt  }
0x64: {  	_ =	shalt  }
0x65: {  	_ =	shalt  }
0x66: {  	_ =	shalt  }
0x67: {  	_ =	shalt  }
0x68: {  	_ =	shalt  }
0x69: {  	_ =	shalt  }
0x6a: {  	_ =	shalt  }
0x6b: {  	_ =	shalt  }
0x6c: {  	_ =	shalt  }
0x6d: {  	_ =	shalt  }
0x6e: {  	_ =	shalt  }
0x6f: {  	_ =	shalt  }
0x70: {  	_ =	shalt  }
0x71: {  	_ =	shalt  }
0x72: {  	_ =	shalt  }
0x73: {  	_ =	shalt  }
0x74: {  	_ =	shalt  }
0x75: {  	_ =	shalt  }
0x76: {  	_ =	shalt  }
0x77: {  	_ =	shalt  }
0x78: {  	_ =	shalt  }
0x79: {  	_ =	shalt  }
0x7a: {  	_ =	shalt  }
0x7b: {  	_ =	shalt  }
0x7c: {  	_ =	shalt  }
0x7d: {  	_ =	shalt  }
0x7e: {  	_ =	shalt  }
0x7f: {  	_ =	shalt  }
0x80: {  	_ =	shalt  }
0x81: {  	_ =	shalt  }
0x82: {  	_ =	shalt  }
0x83: {  	_ =	shalt  }
0x84: {  	_ =	shalt  }
0x85: {  	_ =	shalt  }
0x86: {  	_ =	shalt  }
0x87: {  	_ =	shalt  }
.Lfunc_end0:
.L_simem_size_0:
called_computation.1_lowered:
.L_overlay_start_0:
0x88: {  	s2 =	sld [smem:$0x3FD9]  }
0x89: {  	s3 =	sld [smem:$0x3FFE];
	_ =	sdelay $0x1  }
0x8a: {  	s1 =	srdreg.scid  }
0x8b: {  	s0 =	sand.u32 $0x1, s1  }
0x8c: {  	s17 =	sshll.u32 s0, $0xA;
	s2 =	sadd.s32 s3, s2  }
0x8d: {  	s2 =	sadd.s32 s2, s17  }
0x8e: {  	[smem:$0x3FC2] =	sst s2  }
0x8f: {  	_ = 	snop  }
0x90: {  	s2 =	sld [smem:$0x3FD0];
	(tm) =	ssettm $0x1  }
0x91: {  	s18 =	sld [smem:$0x3FFB];
	_ =	sdelay $0x3  }
0x92: {  	_ =	strace s18  }
0x93: {  	s3 =	sld [smem:$0x3FFC];
	_ =	sdelay $0x3  }
0x94: {  	_ =	strace s3  }
0x95: {  	s3 =	sld [smem:$0x3FFD];
	_ =	sdelay $0x3  }
0x96: {  	_ =	strace s3  }
0x97: {  	_ =	strace $0x8FFFFFFF  }
0x98: {  	s19 =	sld [smem:$0x3FDB];
	_ =	sdelay $0x1  }
0x99: {  	s4 =	simm.s32 $_scs_section_size  }
0x9a: {  	s5 =	simm.s32 $_size__tile_overlayer_lowered;
	s6 =	simm.s32 $_tile_overlayer_lowered  }
0x9b: {  	s22 =	simm.s32 $0x1BFF;
	s21 =	sshll.u32 s6, $0x1;
	s3 =	sadd.s32 s4, s19  }
0x9c: {  	s7 =	simm.s32 $0x0;
	s20 =	sshll.u32 s5, $0x1;
	s5 =	sadd.s32 s21, s3  }
0x9d: {  	[timem:s7], [sflag:s22] =	dma.local [hbm:s5], s20  }
0x9e: {  	_ =	swait.ge [sflag:s22], s20  }
0x9f: {  	s4 =	ssub.s32 $0x0, s20;
	[sflag:s22] =	ssyncset.done $0x0  }
0xa0: {  	[sflag:s22] =	ssyncadd.s32 s4;
	_ =	sdelay $0x1  }
0xa1: {  	s23 =	simm.s32 $0x1B8B  }
0xa2: {  	_ =	swait.ge [sflag:s23], $0x1  }
0xa3: {  	[sflag:s23] =	ssyncset.done $0x0  }
0xa4: {  	s25 =	simm.s32 $0x1B8E;
	s24 =	sld [smem:$0x3FFE];
	[sflag:s23] =	ssyncadd.s32 $0xFFFFFFFF  }
0xa5: {  	s26 =	simm.s32 $execute0_lowered;
	[smem:$0x3FD2] =	sst s25  }
0xa6: {  	s5 =	sshll.u32 s26, $0x1;
	_ =	strace $0x80000049;
	[dreg:$0x1] =	wrdreg $0xFFFFFFFF  }
0xa7: {  	s28 =	simm.s32 $_size_execute0_lowered;
	s3 =	sadd.s32 s3, s5;
	[dreg:$0x0] =	wrdreg $0x0  }
0xa8: {  	s5 =	sshll.u32 s28, $0x1;
	[dreg:$0x2] =	wrdreg s3  }
0xa9: {  	[dreg:$0x3] =	wrdreg s5  }
0xaa: {  	[dreg:$0x4] =	wrdreg $0xC0  }
0xab: {  	_ =	task [dreg:s7], $0x5FFFF  }
0xac: {  	[dreg:$0x1] =	wrdreg $0xFFFFFFFF  }
0xad: {  	[dreg:$0x0] =	wrdreg $0x60  }
0xae: {  	[dreg:$0x2] =	wrdreg s2  }
0xaf: {  	[dreg:$0x3] =	wrdreg s24  }
0xb0: {  	[dreg:$0x4] =	wrdreg $0x92000  }
0xb1: {  	[dreg:$0x5] =	wrdreg $0x9  }
0xb2: {  	_ =	task.clear_ibuf [dreg:s7], $0x6FFFF;
	_ =	strace $0x90000049  }
0xb3: {  	s29 =	simm.s32 $0x9;
	_ =	strace $0x8000004B  }
0xb4: {  	_ =	swait.ge [sflag:s29], $0x1  }
0xb5: {  	[sflag:s29] =	ssyncadd.s32 $0xFFFFFFFF  }
0xb6: {  	_ =	strace $0x9000004B  }
0xb7: {  	_ =	sfence  }
0xb8: {  	s30 =	sld [smem:$0x0];
	_ =	sdelay $0x2  }
0xb9: {  	s31 =	sshll.u32 s1, $0xD;
	s1 =	sshrl.u32 s1, $0x2  }
0xba: {  	s3 =	sand.u32 $0x4000, s31;
	s1 =	sadd.s32 s1, s30  }
0xbb: {  	s0 =	sor.u32 s3, s0;
	s1 =	sshll.u32 s1, $0x11  }
0xbc: {  	s0 =	sor.u32 s1, s0  }
0xbd: {  	s0 =	sadd.s32 $0x8F2B, s0  }
0xbe: {  	[sflag:s0] =	ssyncadd.remote.s32 $0x1  }
0xbf: {  	_ =	sfence.sel $0xFFFF  }
0xc0: {  	[dreg:$0x0] =	wrdreg $0xFFFFFFFF;
	(pc) =	sbr.abs _section_cstart, $3  }
0xc1: {  	[dreg:$0x1] =	wrdreg $0xFFFFFFFF  }
0xc2: {  	_ =	task.clear_ibuf [dreg:s7], $0x2FFFF;
	_ =	strace $0x9FFFFFFF  }
0xc3: {  	(tm) =	ssettm $0x7FFFFFFF  }
tec
execute0_lowered:
.L_overlay_start_1:
0x0: {  	(tag) =	ssettag $0x1  }
0x1: {  	s1 =	rddreg [dreg:$0x0]  }
0x2: {  	s0 =	srdreg.scid;
	s7 =	rddreg [dreg:$0x1]  }
0x3: {  	s3 =	rddreg [dreg:$0x2];
	s4 =	simm.s32 $0x0;
	s14 =	simm.s32 $0x40  }
0x4: {  	s15 =	simm.s32 $0x5000;
	s16 =	simm.s32 $0x5200;
	s17 =	simm.s32 $0x5100  }
0x5: {  	s18 =	simm.s32 $0x7200;
	s19 =	simm.s32 $0x1;
	s20 =	simm.s32 $0x5080  }
0x6: {  	s21 =	simm.s32 $0x2;
	s22 =	simm.s32 $0x5180;
	s6 =	sand.u32 $0x1, s0  }
0x7: {  	s23 =	simm.s32 $0x0;
	s0 =	stileid.u32;
	s8 =	smul.u32 $0x140000, s6  }
0x8: {  	[smem:$0x7FF] =	sst s4;
	s2 =	sshll.u32 s6, $0x4;
	s9 =	smul.u32 $0x14000, s0  }
0x9: {  	s28 =	smul.u32 $0x50000, s0;
	s6 =	ssub.s32 $0x2, s6;
	s2 =	sor.u32 s0, s2  }
0xa: {  	s31 =	sshll.u32 s0, $0x6;
	s29 =	sshrl.u32 s6, $0x1;
	s5 =	smul.u32 $0x500, s2  }
0xb: {  	s2 =	rddreg [dreg:$0x3];
	_ =	strace $0x8000004A;
	s8 =	sadd.s32 s9, s8  }
0xc: {  	s30 =	sshrl.u32 s28, $0x2;
	s12 =	ssub.s32 s6, s29;
	s6 =	sor.u32 $0x1C03, s31  }
0xd: {  	s8 =	sshrl.u32 s8, $0x3;
	s13 =	sadd.s32 s30, s3;
	s10 =	sadd.s32 s5, s7  }
0xe: {  	s5 =	sadd.s32 $0xB400, s7;
	s11 =	sadd.s32 s8, s7;
	s7 =	sadd.s32 $0x5DC00, s10  }
0xf: {  	s8 =	sadd.s32 $0x1400, s10;
	s9 =	sadd.s32 $0xDC00, s11;
	s10 =	smax.u32 s12, $0x1  }
0x10: {  	s11 =	sshrl.u32 s13, $0x3;
	s12 =	simm.s32 $0x3;
	s13 =	simm.s32 $0x2800  }
.LBB2_1:
0x11: {  	[spmem:s11], [sflag:s6] =	dma.local [hbm:s5], $0x2800  }
0x12: {  	_ =	swait.ge [sflag:s12], $0x2800  }
0x13: {  	[sflag:s12] =	ssyncset.done $0x0  }
0x14: {  	[sflag:s12] =	ssyncadd.s32 $0xFFFFD800  }
0x15: {  	[bflag:$0x0] =	sbarrier.arrive $0xFFFF  }
0x16: {  	[tilespmem:s4], [sflag:$0x3] =	stream.linear.gather [hbm4b:s7+s4], $0x2800, $0x38;
	[tilespmem:$0x1D200] =	vst v63  }
0x17: {  	_ =	swait.ge [sflag:s12], $0x2800  }
0x18: {  	[sflag:s12] =	ssyncset.done $0x0  }
0x19: {  	[sflag:s12] =	ssyncadd.s32 $0xFFFFD800  }
0x1a: {  	[tilespmem:s13], [sflag:$0x3] =	stream.linear.gather [hbm4b:s8+s4], $0x2800, $0x38;
	[tilespmem:$0x1D200] =	vst v63  }
0x1b: {  	_ =	swait.ge [sflag:s12], $0x2800  }
0x1c: {  	[sflag:s12] =	ssyncset.done $0x0  }
0x1d: {  	[sflag:s12] =	ssyncadd.s32 $0xFFFFD800  }
0x1e: {  	v0 =	vld [tilespmem:$0x0]  }
0x1f: {  	v1 =	vld [tilespmem:$0x2800]  }
0x20: {  	v2 =	vld [tilespmem:$0x10]  }
0x21: {  	v3 =	vld [tilespmem:$0x2810]  }
0x22: {  	v4 =	vld [tilespmem:$0x20]  }
0x23: {  	v61 =	vld [tilespmem:$0x2820];
	[tilespmem:$0x5000] =	vst v0  }
0x24: {  	v62 =	vld [tilespmem:$0x30];
	[tilespmem:$0x5080] =	vst v1  }
0x25: {  	v63 =	vld [tilespmem:$0x2830];
	[tilespmem:$0x5010] =	vst v2  }
0x26: {  	[tilespmem:$0x5090] =	vst v3  }
0x27: {  	[tilespmem:$0x5020] =	vst v4  }
0x28: {  	[tilespmem:$0x50A0] =	vst v61  }
0x29: {  	[tilespmem:$0x5030] =	vst v62  }
0x2a: {  	s24 =	simm.s32 $0x0;
	[tilespmem:$0x50B0] =	vst v63  }
0x2b: {  	[tilespmem:s16], [sflag:$0x1] =	stream.indirect.gather [hbm4b:s1+s14], $0x80, s15, s14, $0xb8;
	[tilespmem:$0x1D200] =	vst v63  }
0x2c: {  	v0 =	vld [tilespmem:s24+$0x40];
	_ =	sdelay $0x4  }
0x2d: {  	[tilespmem:$0x5100] =	vst v0  }
0x2e: {  	v0 =	vld [tilespmem:s24+$0x2840];
	_ =	sdelay $0x4  }
0x2f: {  	[tilespmem:$0x5180] =	vst v0  }
0x30: {  	v0 =	vld [tilespmem:s24+$0x50];
	_ =	sdelay $0x4  }
0x31: {  	[tilespmem:$0x5110] =	vst v0  }
0x32: {  	v0 =	vld [tilespmem:s24+$0x2850];
	_ =	sdelay $0x4  }
0x33: {  	[tilespmem:$0x5190] =	vst v0  }
0x34: {  	v0 =	vld [tilespmem:s24+$0x60];
	_ =	sdelay $0x4  }
0x35: {  	[tilespmem:$0x5120] =	vst v0  }
0x36: {  	v0 =	vld [tilespmem:s24+$0x2860];
	_ =	sdelay $0x4  }
0x37: {  	[tilespmem:$0x51A0] =	vst v0  }
0x38: {  	v0 =	vld [tilespmem:s24+$0x70];
	_ =	sdelay $0x4  }
0x39: {  	[tilespmem:$0x5130] =	vst v0  }
0x3a: {  	v0 =	vld [tilespmem:s24+$0x2870];
	_ =	sdelay $0x4  }
0x3b: {  	[tilespmem:$0x51B0] =	vst v0  }
0x3c: {  	[tilespmem:s18], [sflag:$0x2] =	stream.indirect.gather [hbm4b:s1+s14], $0x80, s17, s14, $0xb8;
	[tilespmem:$0x1D200] =	vst v63  }
0x3d: {  	_ =	swait.ge [sflag:s19], $0x2000  }
0x3e: {  	[sflag:s19] =	ssyncset.done $0x0  }
0x3f: {  	[sflag:s19] =	ssyncadd.s32 $0xFFFFE000  }
0x40: {  	[spmem:s3] =	stream.indirect.scatter.add.f32 [tilespmem:s16], [sflag:$0x3], $0x80, s20, s14, $0xb8;
	[tilespmem:$0x1D200] =	vst v63  }
0x41: {  	_ =	swait.ge [sflag:s12], $0x2000  }
0x42: {  	p0 =	por $0x0, $0x0;
	[sflag:s12] =	ssyncset.done $0x0  }
0x43: {  	s24 =	simm.s32 @!p0 $0x0;
	[sflag:s12] =	ssyncadd.s32 $0xFFFFE000  }
0x44: {  	v0 =	vld @!p0 [tilespmem:s24+$0x80];
	_ =	sdelay $0x4  }
0x45: {  	[tilespmem:$0x5000] =	vst @!p0 v0  }
0x46: {  	v0 =	vld @!p0 [tilespmem:s24+$0x2880];
	_ =	sdelay $0x4  }
0x47: {  	[tilespmem:$0x5080] =	vst @!p0 v0  }
0x48: {  	v0 =	vld @!p0 [tilespmem:s24+$0x90];
	_ =	sdelay $0x4  }
0x49: {  	[tilespmem:$0x5010] =	vst @!p0 v0  }
0x4a: {  	v0 =	vld @!p0 [tilespmem:s24+$0x2890];
	_ =	sdelay $0x4  }
0x4b: {  	[tilespmem:$0x5090] =	vst @!p0 v0  }
0x4c: {  	v0 =	vld @!p0 [tilespmem:s24+$0xA0];
	_ =	sdelay $0x4  }
0x4d: {  	[tilespmem:$0x5020] =	vst @!p0 v0  }
0x4e: {  	v0 =	vld @!p0 [tilespmem:s24+$0x28A0];
	_ =	sdelay $0x4  }
0x4f: {  	[tilespmem:$0x50A0] =	vst @!p0 v0  }
0x50: {  	v0 =	vld @!p0 [tilespmem:s24+$0xB0];
	_ =	sdelay $0x4  }
0x51: {  	[tilespmem:$0x5030] =	vst @!p0 v0  }
0x52: {  	v0 =	vld @!p0 [tilespmem:s24+$0x28B0];
	_ =	sdelay $0x4  }
0x53: {  	s25 =	simm.s32 @!p0 $0x5000;
	s26 =	simm.s32 @!p0 $0x5200;
	s24 =	simm.s32 @!p0 $0x40;
	[tilespmem:$0x50B0] =	vst @!p0 v0  }
0x54: {  	[tilespmem:s26], [sflag:$0x1] =	stream.indirect.gather @!p0 [hbm4b:s1+s24], $0x80, s25, s24, $0xb8;
	[tilespmem:$0x1D200] =	vst v63  }
0x55: {  	_ =	swait.ge [sflag:s21], $0x2000  }
0x56: {  	[sflag:s21] =	ssyncset.done $0x0  }
0x57: {  	[sflag:s21] =	ssyncadd.s32 $0xFFFFE000  }
0x58: {  	[spmem:s3] =	stream.indirect.scatter.add.f32 [tilespmem:s18], [sflag:$0x3], $0x80, s22, s14, $0xb8;
	[tilespmem:$0x1D200] =	vst v63  }
0x59: {  	_ =	swait.ge [sflag:s12], $0x2000  }
0x5a: {  	s24 =	simm.s32 $0x200;
	s25 =	simm.s32 $0x400;
	[sflag:s12] =	ssyncset.done $0x0  }
.LBB2_2:
0x5b: {  	s28 =	sshra.s32 s24, $0x2  }
0x5c: {  	[sflag:s12] =	ssyncadd.s32 $0xFFFFE000;
	s26 =	smov.u32 s25;
	s25 =	sadd.s32 $0x200, s25  }
0x5d: {  	p0 =	sne.s32 s25, $0xA000;
	v0 =	vld [tilespmem:s28+$0x40];
	_ =	sdelay $0x4  }
0x5e: {  	[tilespmem:$0x5100] =	vst v0  }
0x5f: {  	v0 =	vld [tilespmem:s28+$0x2840];
	_ =	sdelay $0x4  }
0x60: {  	[tilespmem:$0x5180] =	vst v0  }
0x61: {  	v0 =	vld [tilespmem:s28+$0x50];
	_ =	sdelay $0x4  }
0x62: {  	[tilespmem:$0x5110] =	vst v0  }
0x63: {  	v0 =	vld [tilespmem:s28+$0x2850];
	_ =	sdelay $0x4  }
0x64: {  	[tilespmem:$0x5190] =	vst v0  }
0x65: {  	v0 =	vld [tilespmem:s28+$0x60];
	_ =	sdelay $0x4  }
0x66: {  	[tilespmem:$0x5120] =	vst v0  }
0x67: {  	v0 =	vld [tilespmem:s28+$0x2860];
	_ =	sdelay $0x4  }
0x68: {  	[tilespmem:$0x51A0] =	vst v0  }
0x69: {  	v0 =	vld [tilespmem:s28+$0x70];
	_ =	sdelay $0x4  }
0x6a: {  	[tilespmem:$0x5130] =	vst v0  }
0x6b: {  	v0 =	vld [tilespmem:s28+$0x2870];
	_ =	sdelay $0x4  }
0x6c: {  	[tilespmem:$0x51B0] =	vst v0  }
0x6d: {  	[tilespmem:s18], [sflag:$0x2] =	stream.indirect.gather [hbm4b:s1+s14], $0x80, s17, s14, $0xb8;
	[tilespmem:$0x1D200] =	vst v63  }
0x6e: {  	_ =	swait.ge [sflag:s19], $0x2000  }
0x6f: {  	[sflag:s19] =	ssyncset.done $0x0  }
0x70: {  	[sflag:s19] =	ssyncadd.s32 $0xFFFFE000  }
0x71: {  	[spmem:s3] =	stream.indirect.scatter.add.f32 [tilespmem:s16], [sflag:$0x3], $0x80, s20, s14, $0xb8;
	[tilespmem:$0x1D200] =	vst v63  }
0x72: {  	_ =	swait.ge [sflag:s12], $0x2000  }
0x73: {  	p1 =	seq.s32 s24, $0x9E00;
	[sflag:s12] =	ssyncset.done $0x0  }
0x74: {  	s28 =	sshra.s32 @!p1 s24, $0x2;
	s24 =	smov.u32 s26;
	[sflag:s12] =	ssyncadd.s32 $0xFFFFE000  }
0x75: {  	v0 =	vld @!p1 [tilespmem:s28+$0x80];
	_ =	sdelay $0x4  }
0x76: {  	[tilespmem:$0x5000] =	vst @!p1 v0  }
0x77: {  	v0 =	vld @!p1 [tilespmem:s28+$0x2880];
	_ =	sdelay $0x4  }
0x78: {  	[tilespmem:$0x5080] =	vst @!p1 v0  }
0x79: {  	v0 =	vld @!p1 [tilespmem:s28+$0x90];
	_ =	sdelay $0x4  }
0x7a: {  	[tilespmem:$0x5010] =	vst @!p1 v0  }
0x7b: {  	v0 =	vld @!p1 [tilespmem:s28+$0x2890];
	_ =	sdelay $0x4  }
0x7c: {  	[tilespmem:$0x5090] =	vst @!p1 v0  }
0x7d: {  	v0 =	vld @!p1 [tilespmem:s28+$0xA0];
	_ =	sdelay $0x4  }
0x7e: {  	[tilespmem:$0x5020] =	vst @!p1 v0  }
0x7f: {  	v0 =	vld @!p1 [tilespmem:s28+$0x28A0];
	_ =	sdelay $0x4  }
0x80: {  	[tilespmem:$0x50A0] =	vst @!p1 v0  }
0x81: {  	v0 =	vld @!p1 [tilespmem:s28+$0xB0];
	_ =	sdelay $0x4  }
0x82: {  	[tilespmem:$0x5030] =	vst @!p1 v0  }
0x83: {  	v0 =	vld @!p1 [tilespmem:s28+$0x28B0];
	_ =	sdelay $0x4  }
0x84: {  	s29 =	simm.s32 @!p1 $0x5200;
	s26 =	simm.s32 @!p1 $0x40;
	s28 =	simm.s32 @!p1 $0x5000;
	[tilespmem:$0x50B0] =	vst @!p1 v0  }
0x85: {  	[tilespmem:s29], [sflag:$0x1] =	stream.indirect.gather @!p1 [hbm4b:s1+s26], $0x80, s28, s26, $0xb8;
	[tilespmem:$0x1D200] =	vst v63  }
0x86: {  	_ =	swait.ge [sflag:s21], $0x2000  }
.Ltmp0:
0x87: {  	[sflag:s21] =	ssyncset.done $0x0;
	(pc) =	sbr.rel @p0 .LBB2_2-.Ltmp0, $4  }
0x88: {  	[sflag:s21] =	ssyncadd.s32 $0xFFFFE000  }
0x89: {  	[spmem:s3] =	stream.indirect.scatter.add.f32 [tilespmem:s18], [sflag:$0x3], $0x80, s22, s14, $0xb8;
	[tilespmem:$0x1D200] =	vst v63  }
0x8a: {  	_ =	swait.ge [sflag:s12], $0x2000  }
0x8b: {  	[sflag:s12] =	ssyncset.done $0x0  }
0x8c: {  	s25 =	sshra.s32 s24, $0x2;
	[sflag:s12] =	ssyncadd.s32 $0xFFFFE000  }
0x8d: {  	v0 =	vld [tilespmem:s25+$0x40];
	_ =	sdelay $0x4  }
0x8e: {  	[tilespmem:$0x5100] =	vst v0  }
0x8f: {  	v0 =	vld [tilespmem:s25+$0x2840];
	_ =	sdelay $0x4  }
0x90: {  	[tilespmem:$0x5180] =	vst v0  }
0x91: {  	v0 =	vld [tilespmem:s25+$0x50];
	_ =	sdelay $0x4  }
0x92: {  	[tilespmem:$0x5110] =	vst v0  }
0x93: {  	v0 =	vld [tilespmem:s25+$0x2850];
	_ =	sdelay $0x4  }
0x94: {  	[tilespmem:$0x5190] =	vst v0  }
0x95: {  	v0 =	vld [tilespmem:s25+$0x60];
	_ =	sdelay $0x4  }
0x96: {  	[tilespmem:$0x5120] =	vst v0  }
0x97: {  	v0 =	vld [tilespmem:s25+$0x2860];
	_ =	sdelay $0x4  }
0x98: {  	[tilespmem:$0x51A0] =	vst v0  }
0x99: {  	v0 =	vld [tilespmem:s25+$0x70];
	_ =	sdelay $0x4  }
0x9a: {  	[tilespmem:$0x5130] =	vst v0  }
0x9b: {  	v0 =	vld [tilespmem:s25+$0x2870];
	_ =	sdelay $0x4  }
0x9c: {  	[tilespmem:$0x51B0] =	vst v0  }
0x9d: {  	[tilespmem:s18], [sflag:$0x2] =	stream.indirect.gather [hbm4b:s1+s14], $0x80, s17, s14, $0xb8;
	[tilespmem:$0x1D200] =	vst v63  }
0x9e: {  	_ =	swait.ge [sflag:s19], $0x2000  }
0x9f: {  	[sflag:s19] =	ssyncset.done $0x0  }
0xa0: {  	[sflag:s19] =	ssyncadd.s32 $0xFFFFE000  }
0xa1: {  	[spmem:s3] =	stream.indirect.scatter.add.f32 [tilespmem:s16], [sflag:$0x3], $0x80, s20, s14, $0xb8;
	[tilespmem:$0x1D200] =	vst v63  }
0xa2: {  	_ =	swait.ge [sflag:s12], $0x2000  }
0xa3: {  	p0 =	seq.s32 s24, $0x9E00;
	[sflag:s12] =	ssyncset.done $0x0  }
0xa4: {  	s24 =	sshra.s32 @!p0 s24, $0x2;
	[sflag:s12] =	ssyncadd.s32 $0xFFFFE000  }
0xa5: {  	v0 =	vld @!p0 [tilespmem:s24+$0x80];
	_ =	sdelay $0x4  }
0xa6: {  	[tilespmem:$0x5000] =	vst @!p0 v0  }
0xa7: {  	v0 =	vld @!p0 [tilespmem:s24+$0x2880];
	_ =	sdelay $0x4  }
0xa8: {  	[tilespmem:$0x5080] =	vst @!p0 v0  }
0xa9: {  	v0 =	vld @!p0 [tilespmem:s24+$0x90];
	_ =	sdelay $0x4  }
0xaa: {  	[tilespmem:$0x5010] =	vst @!p0 v0  }
0xab: {  	v0 =	vld @!p0 [tilespmem:s24+$0x2890];
	_ =	sdelay $0x4  }
0xac: {  	[tilespmem:$0x5090] =	vst @!p0 v0  }
0xad: {  	v0 =	vld @!p0 [tilespmem:s24+$0xA0];
	_ =	sdelay $0x4  }
0xae: {  	[tilespmem:$0x5020] =	vst @!p0 v0  }
0xaf: {  	v0 =	vld @!p0 [tilespmem:s24+$0x28A0];
	_ =	sdelay $0x4  }
0xb0: {  	[tilespmem:$0x50A0] =	vst @!p0 v0  }
0xb1: {  	v0 =	vld @!p0 [tilespmem:s24+$0xB0];
	_ =	sdelay $0x4  }
0xb2: {  	[tilespmem:$0x5030] =	vst @!p0 v0  }
0xb3: {  	v0 =	vld @!p0 [tilespmem:s24+$0x28B0];
	_ =	sdelay $0x4  }
0xb4: {  	s26 =	simm.s32 @!p0 $0x5200;
	s25 =	simm.s32 @!p0 $0x5000;
	s24 =	simm.s32 @!p0 $0x40;
	[tilespmem:$0x50B0] =	vst @!p0 v0  }
0xb5: {  	[tilespmem:s26], [sflag:$0x1] =	stream.indirect.gather @!p0 [hbm4b:s1+s24], $0x80, s25, s24, $0xb8;
	[tilespmem:$0x1D200] =	vst v63  }
0xb6: {  	_ =	swait.ge [sflag:s21], $0x2000  }
0xb7: {  	[sflag:s21] =	ssyncset.done $0x0  }
0xb8: {  	[sflag:s21] =	ssyncadd.s32 $0xFFFFE000  }
0xb9: {  	[spmem:s3] =	stream.indirect.scatter.add.f32 [tilespmem:s18], [sflag:$0x3], $0x80, s22, s14, $0xb8;
	[tilespmem:$0x1D200] =	vst v63  }
0xba: {  	_ =	swait.ge [sflag:s12], $0x2000  }
0xbb: {  	s23 =	sadd.s32 $0x1, s23;
	[sflag:s12] =	ssyncset.done $0x0  }
0xbc: {  	p0 =	sne.s32 s23, s10;
	[sflag:s12] =	ssyncadd.s32 $0xFFFFE000  }
.Ltmp1:
0xbd: {  	[bflag:$0x0] =	sbarrier.arrive $0xFFFF;
	(pc) =	sbr.rel @p0 .LBB2_1-.Ltmp1, $4  }
0xbe: {  	[hbm:s9], [sflag:s6] =	dma.local [spmem:s11], $0x2800  }
0xbf: {  	_ =	swait.ge [sflag:s12], $0x2800  }
0xc0: {  	[sflag:s12] =	ssyncset.done $0x0  }
0xc1: {  	[sflag:s12] =	ssyncadd.s32 $0xFFFFD800  }
0xc2: {  	_ =	sfence.sel $0x180000  }
0xc3: {  	[bflag:$0x0] =	sbarrier.arrive $0xFFFF  }
0xc4: {  	p0 =	sne.s32 s0, $0x0;
	_ =	strace $0x9000004A  }
0xc5: {  	s0 =	sadd.s32 @!p0 $0x100000, s2;
	[bflag:$0x2] =	sbarrier.arrive $0xFFFF  }
0xc6: {  	[sflag:s0] =	ssyncadd.tile.s32 @!p0 $0x1;
	_ =	shalt  }
.Lfunc_end2:
_tile_overlayer_lowered:
.L_overlay_start_2:
0xc7: {  	(tag) =	ssettag $0x2  }
0xc8: {  	s0 =	rddreg [dreg:$0x0];
	s2 =	stileid.u32  }
0xc9: {  	s1 =	rddreg [dreg:$0x1];
	p0 =	sne.s32 s2, $0x0  }
0xca: {  	s3 =	rddreg [dreg:$0x2];
	[bflag:$0x3] =	sbarrier.arrive $0xFFFF;
	s2 =	simm.s32 @!p0 $0x1C03  }
0xcb: {  	[timem:s3], [sflag:s2] =	dma.local @!p0 [hbm:s0], s1  }
0xcc: {  	s0 =	simm.s32 @!p0 $0x3  }
0xcd: {  	_ =	swait.ge @!p0 [sflag:s0], s1  }
0xce: {  	s1 =	ssub.s32 @!p0 $0x0, s1;
	[sflag:s0] =	ssyncset.done @!p0 $0x0  }
0xcf: {  	[sflag:s0] =	ssyncadd.s32 @!p0 s1  }
0xd0: {  	[bflag:$0x3] =	sbarrier.arrive $0xFFFF  }
0xd1: {  	_ =	shalt  }

</sc_bundles>
